<compile_context>
chip_gen: v7x
topology: tpu7x:2x2x1
jax: 0.10.2.dev20260603
libtpu: 0.0.44.dev20260713+nightly
codegen_flags: <defaults>
</compile_context>

<pallas_src>
import functools
import numpy as np
import jax
import jax.numpy as jnp
from jax import lax
from jax.experimental import pallas as pl
from jax.experimental.pallas import tpu as pltpu
from jax.experimental.pallas import tpu_sc as plsc

_L = 16
_TN = 10000
_D = 128
_B = 4
_N = 2500
_LAT = 128
_E = 320000

_S_BLK = 1000
_NBLK = _TN // _S_BLK

_NC = 2
_NS = 16
_NW = _NC * _NS
_EPW = _E // _NW
_CHUNK = 96
_ITERS = 104
_ETAIL = _EPW - _ITERS * _CHUNK
_RPT = 624
_RTAIL = _TN - _NS * _RPT


def _pe_const():
    pos = np.arange(_L, dtype=np.float64)[:, None]
    index = np.arange(_D, dtype=np.float64)[None, :]
    pe = pos / np.power(10000.0, (index - index % 2) / np.float32(_D))
    pe[:, 0::2] = np.sin(pe[:, 0::2])
    pe[:, 1::2] = np.cos(pe[:, 1::2])
    return jnp.asarray(pe.astype(np.float32))


def _leaky(x):
    return jnp.where(x >= 0, x, 0.2 * x)



def _r16(x):
    return x.astype(jnp.bfloat16).astype(jnp.float32)


def _wk_body(seq_ref, w1_ref, pe_ref, scal_ref, out_ref, acc_ref):
    i = pl.program_id(0)

    @pl.when(i == 0)
    def _():
        acc_ref[...] = jnp.zeros_like(acc_ref)

    sb = seq_ref[...]
    wb = w1_ref[...]
    pe = pe_ref[...]
    a16 = _r16(sb + pe[:, None, :])
    w16 = _r16(wb)
    acc_ref[...] += jnp.sum(a16 * w16[None, :, :], axis=1)

    @pl.when(i == _NBLK - 1)
    def _():
        c1b = scal_ref[0]
        c2w = scal_ref[1]
        c2b = scal_ref[2]
        c3w = scal_ref[3]
        c3b = scal_ref[4]
        g = scal_ref[5]
        be = scal_ref[6]
        mu = scal_ref[7]
        va = scal_ref[8]
        y1 = jnp.sum(acc_ref[...], axis=1, keepdims=True) + c1b
        y2 = c2w * y1 + c2b
        y3 = c3w * (y1 + y2) + c3b
        t = y1 + y2 + y3
        t = g * (t - mu) / jnp.sqrt(va + 1e-3) + be
        t = _leaky(t)
        m = jnp.max(t, axis=0, keepdims=True)
        ex = jnp.exp(t - m)
        w = ex / jnp.sum(ex, axis=0, keepdims=True)
        out_ref[...] = jnp.broadcast_to(w, (_L, _D))


def _weights_tc(seq_graph, conv1_w, pe, scal):
    return pl.pallas_call(
        _wk_body,
        grid=(_NBLK,),
        in_specs=[
            pl.BlockSpec((_L, _S_BLK, _D), lambda i: (0, i, 0)),
            pl.BlockSpec((_S_BLK, _D), lambda i: (i, 0)),
            pl.BlockSpec((_L, _D), lambda i: (0, 0)),
            pl.BlockSpec(memory_space=pltpu.SMEM),
        ],
        out_specs=pl.BlockSpec((_L, _D), lambda i: (0, 0)),
        out_shape=jax.ShapeDtypeStruct((_L, _D), jnp.float32),
        scratch_shapes=[
            pltpu.VMEM((_L, _D), jnp.float32),
        ],
    )(seq_graph, conv1_w, pe, scal)



def _si_body(seq_ref, w_ref, pe_ref, out_ref):
    sb = seq_ref[...]
    w = w_ref[...]
    pw = jnp.sum(w * pe_ref[...], axis=0, keepdims=True)
    out_ref[...] = jnp.sum(sb * w[:, None, :], axis=0) + pw


def _seq_int_tc(seq_graph, wbc, pe):
    return pl.pallas_call(
        _si_body,
        grid=(_NBLK,),
        in_specs=[
            pl.BlockSpec((_L, _S_BLK, _D), lambda i: (0, i, 0)),
            pl.BlockSpec((_L, _D), lambda i: (0, 0)),
            pl.BlockSpec((_L, _D), lambda i: (0, 0)),
        ],
        out_specs=pl.BlockSpec((_S_BLK, _D), lambda i: (i, 0)),
        out_shape=jax.ShapeDtypeStruct((_TN, _D), jnp.float32),
    )(seq_graph, wbc, pe)



def _segsum_body(tbl_h, src_h, dstm_h, dstt_h, zer_h, out_h,
                 src_v, dst_v, dstt_v, rows_v, rowst_v, acc_sh, sem, ssem):
    c = lax.axis_index("c")
    s = lax.axis_index("s")
    wid = s * _NC + c
    pltpu.sync_copy(src_h.at[wid], src_v)
    pltpu.sync_copy(dstm_h.at[wid], dst_v)
    pltpu.sync_copy(dstt_h.at[wid], dstt_v)
    pltpu.sync_copy(zer_h.at[pl.ds(s * _RPT, _RPT)],
                    acc_sh.at[pl.ds(s * _RPT, _RPT)])

    @pl.when(s == _NS - 1)
    def _():
        pltpu.sync_copy(zer_h.at[pl.ds(_NS * _RPT, _RTAIL)],
                        acc_sh.at[pl.ds(_NS * _RPT, _RTAIL)])

    plsc.subcore_barrier()

    pltpu.async_copy(
        tbl_h.at[src_v.at[pl.ds(_ITERS * _CHUNK, _ETAIL)]],
        rowst_v, sem).wait()
    pltpu.sync_copy(rowst_v, acc_sh.at[dstt_v], add=True)

    def _gather(j, par):
        return pltpu.make_async_copy(
            tbl_h.at[src_v.at[pl.ds(j * _CHUNK, _CHUNK)]],
            rows_v.at[par], sem)

    def _scatter_start(j, par):
        pltpu.async_copy(rows_v.at[par], acc_sh.at[dst_v.at[j]],
                         ssem.at[par], add=True)

    def _scatter_wait(j, par):
        pltpu.make_async_copy(rows_v.at[par], acc_sh.at[dst_v.at[j]],
                              ssem.at[par]).wait()

    _gather(0, 0).start()

    def body(i, carry):
        j0 = 2 * i
        j1 = j0 + 1
        _gather(j0, 0).wait()
        _scatter_start(j0, 0)

        @pl.when(i > 0)
        def _():
            _scatter_wait(j0 - 1, 1)

        _gather(j1, 1).start()
        _gather(j1, 1).wait()
        _scatter_start(j1, 1)
        _scatter_wait(j0, 0)

        @pl.when(j1 < _ITERS - 1)
        def _():
            _gather(j1 + 1, 0).start()

        return carry

    lax.fori_loop(0, _ITERS // 2, body, 0)
    _scatter_wait(_ITERS - 1, 1)
    plsc.subcore_barrier()
    pltpu.sync_copy(acc_sh.at[pl.ds(s * _RPT, _RPT)],
                    out_h.at[c, pl.ds(s * _RPT, _RPT)])

    @pl.when(s == _NS - 1)
    def _():
        pltpu.sync_copy(acc_sh.at[pl.ds(_NS * _RPT, _RTAIL)],
                        out_h.at[c, pl.ds(_NS * _RPT, _RTAIL)])


def _segsum_sc(seq_int, src, dst, zeros):
    mesh = plsc.VectorSubcoreMesh(core_axis_name="c", subcore_axis_name="s")
    f = functools.partial(
        pl.kernel,
        mesh=mesh,
        out_type=jax.ShapeDtypeStruct((_NC, _TN, _D), jnp.float32),
        scratch_types=[
            pltpu.VMEM((_EPW,), jnp.int32),
            pltpu.VMEM((_ITERS, _CHUNK), jnp.int32),
            pltpu.VMEM((_ETAIL,), jnp.int32),
            pltpu.VMEM((2, _CHUNK, _D), jnp.float32),
            pltpu.VMEM((_ETAIL, _D), jnp.float32),
            pltpu.VMEM_SHARED((_TN, _D), jnp.float32),
            pltpu.SemaphoreType.DMA,
            pltpu.SemaphoreType.DMA((2,)),
        ],
    )(_segsum_body)
    d2 = dst.reshape(_NW, _EPW)
    dst_main = d2[:, :_ITERS * _CHUNK].reshape(_NW, _ITERS, _CHUNK)
    dst_tail = d2[:, _ITERS * _CHUNK:]
    return f(seq_int, src.reshape(_NW, _EPW), dst_main, dst_tail, zeros)



def _fin_body(x_ref, ap_ref, g1w_ref, g1b_ref, wgg_ref, wgb_ref, wgm_ref,
              wgv_ref, g2w_ref, lev_ref, lw_ref, outw_ref, outb_ref,
              scal_ref, out_ref):
    eps1 = scal_ref[0]
    eps2 = scal_ref[1]
    g2b = scal_ref[2]
    igg = scal_ref[3]
    igb = scal_ref[4]
    igm = scal_ref[5]
    igv = scal_ref[6]
    lapb = scal_ref[7]

    agg = ap_ref[0] + ap_ref[1]
    x = x_ref[...]
    g1w = _r16(g1w_ref[...])
    g2w = _r16(g2w_ref[...])
    lap = (jnp.sum(_r16(lev_ref[...]) * _r16(lw_ref[...]), axis=1,
                   keepdims=True) + lapb)
    wg_div = jnp.sqrt(wgv_ref[...] + 1e-3)

    rows = []
    for b in range(_B):
        h1 = _r16((1.0 + eps1) * x[b] + agg[b])
        wgp = lax.dot_general(h1, g1w, (((1,), (0,)), ((), ())),
                              preferred_element_type=jnp.float32)
        wgp = wgp + g1b_ref[...]
        a = _leaky(wgg_ref[...] * (wgp - wgm_ref[...]) / wg_div
                   + wgb_ref[...])
        m = jnp.max(a, axis=0, keepdims=True)
        e = jnp.exp(a - m)
        h2 = _r16((1.0 + eps2) * x[b] + agg[b])
        sip = jnp.sum(h2 * g2w, axis=1, keepdims=True) + g2b
        si = _leaky(igg * (sip - igm) / jnp.sqrt(igv + 1e-3) + igb)
        v = si + lap
        num = jnp.sum(e * v, axis=0, keepdims=True)
        den = jnp.sum(e, axis=0, keepdims=True)
        rows.append(num / den)
    integral = jnp.concatenate(rows, axis=0)
    out = lax.dot_general(_r16(integral), _r16(outw_ref[...]),
                          (((1,), (0,)), ((), ())),
                          preferred_element_type=jnp.float32)
    out_ref[...] = out + outb_ref[...]


def _final_tc(x, agg_parts, g1w, g1b, wgg, wgb, wgm, wgv, g2w, lev, lw,
              outw, outb, scal):
    return pl.pallas_call(
        _fin_body,
        in_specs=[
            pl.BlockSpec(),
            pl.BlockSpec(),
            pl.BlockSpec(),
            pl.BlockSpec(),
            pl.BlockSpec(),
            pl.BlockSpec(),
            pl.BlockSpec(),
            pl.BlockSpec(),
            pl.BlockSpec(),
            pl.BlockSpec(),
            pl.BlockSpec(),
            pl.BlockSpec(),
            pl.BlockSpec(),
            pl.BlockSpec(memory_space=pltpu.SMEM),
        ],
        out_specs=pl.BlockSpec(),
        out_shape=jax.ShapeDtypeStruct((_B, _LAT), jnp.float32),
    )(x, agg_parts, g1w, g1b, wgg, wgb, wgm, wgv, g2w, lev, lw, outw,
      outb, scal)



def kernel(seq_graph, e_index, conv1_w, conv1_b, conv2_w, conv2_b, conv3_w,
           conv3_b, cn_gamma, cn_beta, cn_mean, cn_var, gin1_eps, gin1_w,
           gin1_b, wg_gamma, wg_beta, wg_mean, wg_var, gin2_eps, gin2_w,
           gin2_b, ig_gamma, ig_beta, ig_mean, ig_var, lap_eigvec, lap_w,
           lap_b, out_w, out_b):
    pe = _pe_const()

    scal_a = jnp.concatenate([
        conv1_b, conv2_w, conv2_b, conv3_w, conv3_b,
        cn_gamma, cn_beta, cn_mean, cn_var,
    ]).astype(jnp.float32)

    wbc = _weights_tc(seq_graph, conv1_w, pe, scal_a)
    seq_int = _seq_int_tc(seq_graph, wbc, pe)

    src = e_index[0]
    dst = e_index[1]
    zeros = jnp.zeros((_TN, _D), jnp.float32)
    agg_parts = _segsum_sc(seq_int, src, dst, zeros)

    scal_d = jnp.stack([
        gin1_eps, gin2_eps, gin2_b[0], ig_gamma[0], ig_beta[0],
        ig_mean[0], ig_var[0], lap_b[0],
    ]).astype(jnp.float32)

    x4 = seq_int.reshape(_B, _N, _D)
    ap4 = agg_parts.reshape(_NC, _B, _N, _D)

    out = _final_tc(
        x4, ap4, gin1_w,
        gin1_b.reshape(1, _LAT),
        wg_gamma.reshape(1, _LAT), wg_beta.reshape(1, _LAT),
        wg_mean.reshape(1, _LAT), wg_var.reshape(1, _LAT),
        gin2_w.reshape(1, _D),
        lap_eigvec, lap_w.reshape(1, -1),
        out_w, out_b.reshape(1, _LAT),
        scal_d,
    )
    return out

# --- scband reference (transcript-rebuilt; emitter-appended) ---
"""Pipeline reference for scband-integral-layer-57604101374374 (READ-ONLY COPY).

The authoritative reference and input builder live on the scoring server;
editing this copy changes nothing except your own understanding.
"""

import jax, jax.numpy as jnp
import numpy as np

L = 16; TN = 10000; D = 128; B = 4; N = 2500; LAT = 128; KEIG = 16; E = 320000


def setup_inputs(seed: int = 0) -> dict:
    key = jax.random.key(seed)
    ks = jax.random.split(key, 16)
    def nrm(i, shape, s=0.05):
        return jax.random.normal(ks[i], shape, dtype=jnp.float32) * s
    inp = {}
    inp['seq_graph'] = jax.random.normal(ks[0], (L, TN, D), dtype=jnp.float32)
    inp['e_index'] = jax.random.randint(ks[1], (2, E), 0, TN, dtype=jnp.int32)
    inp['conv1_w'] = nrm(2, (TN, D), 0.01)
    inp['conv1_b'] = jnp.zeros((1,), jnp.float32)
    inp['conv2_w'] = nrm(3, (1,))
    inp['conv2_b'] = jnp.zeros((1,), jnp.float32)
    inp['conv3_w'] = nrm(4, (1,))
    inp['conv3_b'] = jnp.zeros((1,), jnp.float32)
    inp['cn_gamma'] = jnp.ones((1,), jnp.float32)
    inp['cn_beta'] = jnp.zeros((1,), jnp.float32)
    inp['cn_mean'] = jnp.zeros((1,), jnp.float32)
    inp['cn_var'] = jnp.ones((1,), jnp.float32)
    inp['gin1_eps'] = jnp.zeros((), jnp.float32)
    inp['gin1_w'] = nrm(5, (D, LAT))
    inp['gin1_b'] = jnp.zeros((LAT,), jnp.float32)
    inp['wg_gamma'] = jnp.ones((LAT,), jnp.float32)
    inp['wg_beta'] = jnp.zeros((LAT,), jnp.float32)
    inp['wg_mean'] = jnp.zeros((LAT,), jnp.float32)
    inp['wg_var'] = jnp.ones((LAT,), jnp.float32)
    inp['gin2_eps'] = jnp.zeros((), jnp.float32)
    inp['gin2_w'] = nrm(6, (D, 1))
    inp['gin2_b'] = jnp.zeros((1,), jnp.float32)
    inp['ig_gamma'] = jnp.ones((1,), jnp.float32)
    inp['ig_beta'] = jnp.zeros((1,), jnp.float32)
    inp['ig_mean'] = jnp.zeros((1,), jnp.float32)
    inp['ig_var'] = jnp.ones((1,), jnp.float32)
    inp['lap_eigvec'] = jax.random.normal(ks[7], (N, KEIG), dtype=jnp.float32)
    inp['lap_w'] = nrm(8, (KEIG, 1))
    inp['lap_b'] = jnp.zeros((1,), jnp.float32)
    inp['out_w'] = nrm(9, (LAT, LAT))
    inp['out_b'] = jnp.zeros((LAT,), jnp.float32)
    return inp


def _leaky(x):
    return jnp.where(x >= 0, x, 0.2 * x)


def _bn(x, g, b, m, v):
    return g * (x - m) / jnp.sqrt(v + 1e-3) + b


def _pos_encoding(length, in_dim):
    pos = np.arange(length, dtype=np.float64)[:, None]
    index = np.arange(in_dim, dtype=np.float64)[None, :]
    pe = pos / np.power(10000.0, (index - index % 2) / np.float32(in_dim))
    pe[:, 0::2] = np.sin(pe[:, 0::2])
    pe[:, 1::2] = np.cos(pe[:, 1::2])
    return jnp.asarray(pe[:, None, :], dtype=jnp.float32)


def _gin(x, eps, W, b, src, dst):
    agg = jax.ops.segment_sum(x[src], dst, num_segments=x.shape[0])
    return ((1.0 + eps) * x + agg) @ W + b


def reference(seq_graph, e_index, conv1_w, conv1_b, conv2_w, conv2_b, conv3_w, conv3_b, cn_gamma, cn_beta, cn_mean, cn_var, gin1_eps, gin1_w, gin1_b, wg_gamma, wg_beta, wg_mean, wg_var, gin2_eps, gin2_w, gin2_b, ig_gamma, ig_beta, ig_mean, ig_var, lap_eigvec, lap_w, lap_b, out_w, out_b):
    Lx, TNx, Dx = seq_graph.shape
    seq = seq_graph + _pos_encoding(Lx, Dx)
    # DenseConv1D: layer1 is a full-span valid Conv1D (kernel_size = B*N), output spatial length 1
    y1 = jnp.einsum('lsc,sc->l', seq, conv1_w)[:, None, None] + conv1_b
    # layers 2/3 on a length-1 sequence reduce to pointwise scalar convs
    y2 = conv2_w * y1 + conv2_b
    y3 = conv3_w * (y1 + y2) + conv3_b
    w_seq = _leaky(_bn(y1 + y2 + y3, cn_gamma, cn_beta, cn_mean, cn_var))
    w_seq = jax.nn.softmax(w_seq, axis=0)
    w_seq = jnp.broadcast_to(w_seq, seq.shape)
    seq_int = jnp.sum(w_seq * seq, axis=0)  # [B*N, D]
    src, dst = e_index[0], e_index[1]
    wg = _gin(seq_int, gin1_eps, gin1_w, gin1_b, src, dst)
    wg = wg.reshape(B, TNx // B, -1)
    wg = _leaky(_bn(wg, wg_gamma, wg_beta, wg_mean, wg_var))
    wg = jax.nn.softmax(wg, axis=1)
    si = _gin(seq_int, gin2_eps, gin2_w, gin2_b, src, dst)
    si = si.reshape(B, TNx // B, 1)
    si = _leaky(_bn(si, ig_gamma, ig_beta, ig_mean, ig_var))
    si = jnp.broadcast_to(si, wg.shape)
    lap = lap_eigvec @ lap_w + lap_b  # [N, 1]
    lap = jnp.broadcast_to(lap, wg.shape)
    integral = jnp.sum(wg * (si + lap), axis=1)  # [B, LAT]
    return integral @ out_w + out_b

if __name__ == "__main__":
    import jax
    _d = setup_inputs()
    print(jax.jit(kernel)(*tuple(_d.values())))

</pallas_src>

<mosaic_0001>
#map = affine_map<(d0, d1) -> (0, 0)>
#map1 = affine_map<(d0, d1) -> (0, 0, 0)>
module attributes {stable_mosaic.version = 14 : i64} {
  func.func @_segsum_body(%arg0: i32, %arg1: i32, %arg2: memref<10000x128xf32, #tpu.memory_space<hbm>>, %arg3: memref<32x10000xi32, #tpu.memory_space<hbm>>, %arg4: memref<32x104x96xi32, #tpu.memory_space<hbm>>, %arg5: memref<32x16xi32, #tpu.memory_space<hbm>>, %arg6: memref<10000x128xf32, #tpu.memory_space<hbm>>, %arg7: memref<2x10000x128xf32, #tpu.memory_space<hbm>>, %arg8: memref<10000xi32, #tpu.memory_space<vmem>>, %arg9: memref<104x96xi32, #tpu.memory_space<vmem>>, %arg10: memref<16xi32, #tpu.memory_space<vmem>>, %arg11: memref<2x96x128xf32, #tpu.memory_space<vmem>>, %arg12: memref<16x128xf32, #tpu.memory_space<vmem>>, %arg13: memref<10000x128xf32, #tpu.memory_space<vmem_shared>>, %arg14: memref<!tpu.dma_semaphore, #tpu.memory_space<semaphore_mem>>, %arg15: memref<2x!tpu.dma_semaphore, #tpu.memory_space<semaphore_mem>>) attributes {dimension_semantics = [#tpu.dimension_semantics<core_parallel>, #tpu.dimension_semantics<subcore_parallel>], iteration_bounds = array<i64: 2, 16>, scalar_prefetch = 0 : i64, scratch_operands = 8 : i64, tpu.core_type = #tpu.core_type<sc_vector_subcore>, window_params = [{transform_indices = #map}, {transform_indices = #map}, {transform_indices = #map1}, {transform_indices = #map}, {transform_indices = #map}, {transform_indices = #map1}]} {
    %mul3A = arith.constant 2 : i32
    %mul3A_0 = arith.muli %arg1, %mul3A : i32
    %add3A = arith.addi %mul3A_0, %arg0 : i32
    "tpu.region"() ({
      %run_scoped3A = tpu.sem_alloc : memref<!tpu.dma_semaphore, #tpu.memory_space<semaphore_mem>>
      %dma_start3A_55 = arith.constant 0 : i32
      %dma_start3A_56 = tpu.memref_slice %arg3[%add3A, %dma_start3A_55] : memref<32x10000xi32, #tpu.memory_space<hbm>> -> memref<1x10000xi32, #tpu.memory_space<hbm>>
      %dma_start3A_57 = tpu.memref_squeeze %dma_start3A_56 : memref<1x10000xi32, #tpu.memory_space<hbm>> -> memref<10000xi32, #tpu.memory_space<hbm>>
      %dma_start3A_58 = arith.constant 0 : i32
      %dma_start3A_59 = tpu.memref_slice %arg3[%add3A, %dma_start3A_58] : memref<32x10000xi32, #tpu.memory_space<hbm>> -> memref<1x10000xi32, #tpu.memory_space<hbm>>
      %dma_start3A_60 = tpu.memref_squeeze %dma_start3A_59 : memref<1x10000xi32, #tpu.memory_space<hbm>> -> memref<10000xi32, #tpu.memory_space<hbm>>
      tpu.enqueue_dma source(%dma_start3A_60 : memref<10000xi32, #tpu.memory_space<hbm>>) target(%arg8 : memref<10000xi32, #tpu.memory_space<vmem>>) target_semaphore(%run_scoped3A : memref<!tpu.dma_semaphore, #tpu.memory_space<semaphore_mem>>)
      %dma_wait3A_61 = arith.constant 0 : i32
      %dma_wait3A_62 = tpu.memref_slice %arg3[%add3A, %dma_wait3A_61] : memref<32x10000xi32, #tpu.memory_space<hbm>> -> memref<1x10000xi32, #tpu.memory_space<hbm>>
      %dma_wait3A_63 = tpu.memref_squeeze %dma_wait3A_62 : memref<1x10000xi32, #tpu.memory_space<hbm>> -> memref<10000xi32, #tpu.memory_space<hbm>>
      %dma_wait3A_64 = arith.constant 0 : i32
      %dma_wait3A_65 = tpu.memref_slice %arg3[%add3A, %dma_wait3A_64] : memref<32x10000xi32, #tpu.memory_space<hbm>> -> memref<1x10000xi32, #tpu.memory_space<hbm>>
      %dma_wait3A_66 = tpu.memref_squeeze %dma_wait3A_65 : memref<1x10000xi32, #tpu.memory_space<hbm>> -> memref<10000xi32, #tpu.memory_space<hbm>>
      tpu.wait_dma2 semaphore(%run_scoped3A : memref<!tpu.dma_semaphore, #tpu.memory_space<semaphore_mem>>) src(%dma_wait3A_66 : memref<10000xi32, #tpu.memory_space<hbm>>) dst(%arg8 : memref<10000xi32, #tpu.memory_space<vmem>>)
      tpu.yield
    }) : () -> ()
    "tpu.region"() ({
      %run_scoped3A = tpu.sem_alloc : memref<!tpu.dma_semaphore, #tpu.memory_space<semaphore_mem>>
      %dma_start3A_55 = arith.constant 0 : i32
      %dma_start3A_56 = arith.constant 0 : i32
      %dma_start3A_57 = tpu.memref_slice %arg4[%add3A, %dma_start3A_55, %dma_start3A_56] : memref<32x104x96xi32, #tpu.memory_space<hbm>> -> memref<1x104x96xi32, #tpu.memory_space<hbm>>
      %dma_start3A_58 = tpu.memref_squeeze %dma_start3A_57 : memref<1x104x96xi32, #tpu.memory_space<hbm>> -> memref<104x96xi32, #tpu.memory_space<hbm>>
      %dma_start3A_59 = arith.constant 0 : i32
      %dma_start3A_60 = arith.constant 0 : i32
      %dma_start3A_61 = tpu.memref_slice %arg4[%add3A, %dma_start3A_59, %dma_start3A_60] : memref<32x104x96xi32, #tpu.memory_space<hbm>> -> memref<1x104x96xi32, #tpu.memory_space<hbm>>
      %dma_start3A_62 = tpu.memref_squeeze %dma_start3A_61 : memref<1x104x96xi32, #tpu.memory_space<hbm>> -> memref<104x96xi32, #tpu.memory_space<hbm>>
      tpu.enqueue_dma source(%dma_start3A_62 : memref<104x96xi32, #tpu.memory_space<hbm>>) target(%arg9 : memref<104x96xi32, #tpu.memory_space<vmem>>) target_semaphore(%run_scoped3A : memref<!tpu.dma_semaphore, #tpu.memory_space<semaphore_mem>>)
      %dma_wait3A_63 = arith.constant 0 : i32
      %dma_wait3A_64 = arith.constant 0 : i32
      %dma_wait3A_65 = tpu.memref_slice %arg4[%add3A, %dma_wait3A_63, %dma_wait3A_64] : memref<32x104x96xi32, #tpu.memory_space<hbm>> -> memref<1x104x96xi32, #tpu.memory_space<hbm>>
      %dma_wait3A_66 = tpu.memref_squeeze %dma_wait3A_65 : memref<1x104x96xi32, #tpu.memory_space<hbm>> -> memref<104x96xi32, #tpu.memory_space<hbm>>
      %dma_wait3A_67 = arith.constant 0 : i32
      %dma_wait3A_68 = arith.constant 0 : i32
      %dma_wait3A_69 = tpu.memref_slice %arg4[%add3A, %dma_wait3A_67, %dma_wait3A_68] : memref<32x104x96xi32, #tpu.memory_space<hbm>> -> memref<1x104x96xi32, #tpu.memory_space<hbm>>
      %dma_wait3A_70 = tpu.memref_squeeze %dma_wait3A_69 : memref<1x104x96xi32, #tpu.memory_space<hbm>> -> memref<104x96xi32, #tpu.memory_space<hbm>>
      tpu.wait_dma2 semaphore(%run_scoped3A : memref<!tpu.dma_semaphore, #tpu.memory_space<semaphore_mem>>) src(%dma_wait3A_70 : memref<104x96xi32, #tpu.memory_space<hbm>>) dst(%arg9 : memref<104x96xi32, #tpu.memory_space<vmem>>)
      tpu.yield
    }) : () -> ()
    "tpu.region"() ({
      %run_scoped3A = tpu.sem_alloc : memref<!tpu.dma_semaphore, #tpu.memory_space<semaphore_mem>>
      %dma_start3A_55 = arith.constant 0 : i32
      %dma_start3A_56 = tpu.memref_slice %arg5[%add3A, %dma_start3A_55] : memref<32x16xi32, #tpu.memory_space<hbm>> -> memref<1x16xi32, #tpu.memory_space<hbm>>
      %dma_start3A_57 = tpu.memref_squeeze %dma_start3A_56 : memref<1x16xi32, #tpu.memory_space<hbm>> -> memref<16xi32, #tpu.memory_space<hbm>>
      %dma_start3A_58 = arith.constant 0 : i32
      %dma_start3A_59 = tpu.memref_slice %arg5[%add3A, %dma_start3A_58] : memref<32x16xi32, #tpu.memory_space<hbm>> -> memref<1x16xi32, #tpu.memory_space<hbm>>
      %dma_start3A_60 = tpu.memref_squeeze %dma_start3A_59 : memref<1x16xi32, #tpu.memory_space<hbm>> -> memref<16xi32, #tpu.memory_space<hbm>>
      tpu.enqueue_dma source(%dma_start3A_60 : memref<16xi32, #tpu.memory_space<hbm>>) target(%arg10 : memref<16xi32, #tpu.memory_space<vmem>>) target_semaphore(%run_scoped3A : memref<!tpu.dma_semaphore, #tpu.memory_space<semaphore_mem>>)
      %dma_wait3A_61 = arith.constant 0 : i32
      %dma_wait3A_62 = tpu.memref_slice %arg5[%add3A, %dma_wait3A_61] : memref<32x16xi32, #tpu.memory_space<hbm>> -> memref<1x16xi32, #tpu.memory_space<hbm>>
      %dma_wait3A_63 = tpu.memref_squeeze %dma_wait3A_62 : memref<1x16xi32, #tpu.memory_space<hbm>> -> memref<16xi32, #tpu.memory_space<hbm>>
      %dma_wait3A_64 = arith.constant 0 : i32
      %dma_wait3A_65 = tpu.memref_slice %arg5[%add3A, %dma_wait3A_64] : memref<32x16xi32, #tpu.memory_space<hbm>> -> memref<1x16xi32, #tpu.memory_space<hbm>>
      %dma_wait3A_66 = tpu.memref_squeeze %dma_wait3A_65 : memref<1x16xi32, #tpu.memory_space<hbm>> -> memref<16xi32, #tpu.memory_space<hbm>>
      tpu.wait_dma2 semaphore(%run_scoped3A : memref<!tpu.dma_semaphore, #tpu.memory_space<semaphore_mem>>) src(%dma_wait3A_66 : memref<16xi32, #tpu.memory_space<hbm>>) dst(%arg10 : memref<16xi32, #tpu.memory_space<vmem>>)
      tpu.yield
    }) : () -> ()
    %mul3A_1 = arith.constant 624 : i32
    %mul3A_2 = arith.muli %arg1, %mul3A_1 : i32
    %mul3A_3 = arith.constant 624 : i32
    %mul3A_4 = arith.muli %arg1, %mul3A_3 : i32
    "tpu.region"() ({
      %run_scoped3A = tpu.sem_alloc : memref<!tpu.dma_semaphore, #tpu.memory_space<semaphore_mem>>
      %dma_start3A_55 = arith.constant 0 : i32
      %dma_start3A_56 = tpu.memref_slice %arg13[%mul3A_4, %dma_start3A_55] : memref<10000x128xf32, #tpu.memory_space<vmem_shared>> -> memref<624x128xf32, #tpu.memory_space<vmem_shared>>
      %dma_start3A_57 = arith.constant 0 : i32
      %dma_start3A_58 = tpu.memref_slice %arg6[%mul3A_2, %dma_start3A_57] : memref<10000x128xf32, #tpu.memory_space<hbm>> -> memref<624x128xf32, #tpu.memory_space<hbm>>
      tpu.enqueue_dma source(%dma_start3A_58 : memref<624x128xf32, #tpu.memory_space<hbm>>) target(%dma_start3A_56 : memref<624x128xf32, #tpu.memory_space<vmem_shared>>) target_semaphore(%run_scoped3A : memref<!tpu.dma_semaphore, #tpu.memory_space<semaphore_mem>>)
      %dma_wait3A_59 = arith.constant 0 : i32
      %dma_wait3A_60 = tpu.memref_slice %arg13[%mul3A_4, %dma_wait3A_59] : memref<10000x128xf32, #tpu.memory_space<vmem_shared>> -> memref<624x128xf32, #tpu.memory_space<vmem_shared>>
      %dma_wait3A_61 = arith.constant 0 : i32
      %dma_wait3A_62 = tpu.memref_slice %arg6[%mul3A_2, %dma_wait3A_61] : memref<10000x128xf32, #tpu.memory_space<hbm>> -> memref<624x128xf32, #tpu.memory_space<hbm>>
      tpu.wait_dma2 semaphore(%run_scoped3A : memref<!tpu.dma_semaphore, #tpu.memory_space<semaphore_mem>>) src(%dma_wait3A_62 : memref<624x128xf32, #tpu.memory_space<hbm>>) dst(%dma_wait3A_60 : memref<624x128xf32, #tpu.memory_space<vmem_shared>>)
      tpu.yield
    }) : () -> ()
    %eq3A = arith.constant 15 : i32
    %eq3A_5 = arith.cmpi eq, %arg1, %eq3A : i32
    %convert_element_type3A = arith.extui %eq3A_5 : i1 to i32
    %cond3A = arith.constant 0 : i32
    %cond3A_6 = arith.cmpi ne, %convert_element_type3A, %cond3A : i32
    scf.if %cond3A_6 {
      "tpu.region"() ({
        %run_scoped3A = tpu.sem_alloc : memref<!tpu.dma_semaphore, #tpu.memory_space<semaphore_mem>>
        %dma_start3A_55 = arith.constant 9984 : i32
        %dma_start3A_56 = arith.constant 0 : i32
        %dma_start3A_57 = tpu.memref_slice %arg13[%dma_start3A_55, %dma_start3A_56] : memref<10000x128xf32, #tpu.memory_space<vmem_shared>> -> memref<16x128xf32, #tpu.memory_space<vmem_shared>>
        %dma_start3A_58 = arith.constant 9984 : i32
        %dma_start3A_59 = arith.constant 0 : i32
        %dma_start3A_60 = tpu.memref_slice %arg6[%dma_start3A_58, %dma_start3A_59] : memref<10000x128xf32, #tpu.memory_space<hbm>> -> memref<16x128xf32, #tpu.memory_space<hbm>>
        tpu.enqueue_dma source(%dma_start3A_60 : memref<16x128xf32, #tpu.memory_space<hbm>>) target(%dma_start3A_57 : memref<16x128xf32, #tpu.memory_space<vmem_shared>>) target_semaphore(%run_scoped3A : memref<!tpu.dma_semaphore, #tpu.memory_space<semaphore_mem>>)
        %dma_wait3A_61 = arith.constant 9984 : i32
        %dma_wait3A_62 = arith.constant 0 : i32
        %dma_wait3A_63 = tpu.memref_slice %arg13[%dma_wait3A_61, %dma_wait3A_62] : memref<10000x128xf32, #tpu.memory_space<vmem_shared>> -> memref<16x128xf32, #tpu.memory_space<vmem_shared>>
        %dma_wait3A_64 = arith.constant 9984 : i32
        %dma_wait3A_65 = arith.constant 0 : i32
        %dma_wait3A_66 = tpu.memref_slice %arg6[%dma_wait3A_64, %dma_wait3A_65] : memref<10000x128xf32, #tpu.memory_space<hbm>> -> memref<16x128xf32, #tpu.memory_space<hbm>>
        tpu.wait_dma2 semaphore(%run_scoped3A : memref<!tpu.dma_semaphore, #tpu.memory_space<semaphore_mem>>) src(%dma_wait3A_66 : memref<16x128xf32, #tpu.memory_space<hbm>>) dst(%dma_wait3A_63 : memref<16x128xf32, #tpu.memory_space<vmem_shared>>)
        tpu.yield
      }) : () -> ()
    } else {
    }
    %barrier3A = arith.constant 0 : index
    tpu.barrier barrier_id(%barrier3A)
    %dma_start3A = arith.constant 9984 : i32
    %dma_start3A_7 = tpu.memref_slice %arg8[%dma_start3A] : memref<10000xi32, #tpu.memory_space<vmem>> -> memref<16xi32, #tpu.memory_space<vmem>>
    %dma_start3A_8 = arith.constant 0 : i32
    %dma_start3A_9 = arith.constant 0 : i32
    %dma_start3A_10 = tpu.memref_slice %arg2[%dma_start3A_8, %dma_start3A_9] : memref<10000x128xf32, #tpu.memory_space<hbm>> -> memref<10000x128xf32, #tpu.memory_space<hbm>>
    tpu.enqueue_indirect_dma source(%dma_start3A_10 : memref<10000x128xf32, #tpu.memory_space<hbm>>) target(%arg12 : memref<16x128xf32, #tpu.memory_space<vmem>>) offsets(%dma_start3A_7 : memref<16xi32, #tpu.memory_space<vmem>>) semaphore(%arg14 : memref<!tpu.dma_semaphore, #tpu.memory_space<semaphore_mem>>)
    %dma_wait3A = arith.constant 9984 : i32
    %dma_wait3A_11 = tpu.memref_slice %arg8[%dma_wait3A] : memref<10000xi32, #tpu.memory_space<vmem>> -> memref<16xi32, #tpu.memory_space<vmem>>
    %dma_wait3A_12 = arith.constant 0 : i32
    %dma_wait3A_13 = arith.constant 0 : i32
    %dma_wait3A_14 = tpu.memref_slice %arg2[%dma_wait3A_12, %dma_wait3A_13] : memref<10000x128xf32, #tpu.memory_space<hbm>> -> memref<10000x128xf32, #tpu.memory_space<hbm>>
    tpu.wait_indirect_dma semaphore(%arg14 : memref<!tpu.dma_semaphore, #tpu.memory_space<semaphore_mem>>) src(%dma_wait3A_14 : memref<10000x128xf32, #tpu.memory_space<hbm>>) dst(%arg12 : memref<16x128xf32, #tpu.memory_space<vmem>>)
    "tpu.region"() ({
      %run_scoped3A = tpu.sem_alloc : memref<!tpu.dma_semaphore, #tpu.memory_space<semaphore_mem>>
      %dma_start3A_55 = arith.constant 0 : i32
      %dma_start3A_56 = arith.constant 0 : i32
      %dma_start3A_57 = tpu.memref_slice %arg13[%dma_start3A_55, %dma_start3A_56] : memref<10000x128xf32, #tpu.memory_space<vmem_shared>> -> memref<10000x128xf32, #tpu.memory_space<vmem_shared>>
      tpu.enqueue_indirect_dma source(%arg12 : memref<16x128xf32, #tpu.memory_space<vmem>>) target(%dma_start3A_57 : memref<10000x128xf32, #tpu.memory_space<vmem_shared>>) offsets(%arg10 : memref<16xi32, #tpu.memory_space<vmem>>) semaphore(%run_scoped3A : memref<!tpu.dma_semaphore, #tpu.memory_space<semaphore_mem>>) {add = true}
      %dma_wait3A_58 = arith.constant 0 : i32
      %dma_wait3A_59 = arith.constant 0 : i32
      %dma_wait3A_60 = tpu.memref_slice %arg13[%dma_wait3A_58, %dma_wait3A_59] : memref<10000x128xf32, #tpu.memory_space<vmem_shared>> -> memref<10000x128xf32, #tpu.memory_space<vmem_shared>>
      tpu.wait_indirect_dma semaphore(%run_scoped3A : memref<!tpu.dma_semaphore, #tpu.memory_space<semaphore_mem>>) src(%arg12 : memref<16x128xf32, #tpu.memory_space<vmem>>) dst(%dma_wait3A_60 : memref<10000x128xf32, #tpu.memory_space<vmem_shared>>)
      tpu.yield
    }) : () -> ()
    %dma_start3A_15 = arith.constant 0 : i32
    %dma_start3A_16 = arith.constant 0 : i32
    %dma_start3A_17 = arith.constant 0 : i32
    %dma_start3A_18 = tpu.memref_slice %arg11[%dma_start3A_15, %dma_start3A_16, %dma_start3A_17] : memref<2x96x128xf32, #tpu.memory_space<vmem>> -> memref<1x96x128xf32, #tpu.memory_space<vmem>>
    %dma_start3A_19 = tpu.memref_squeeze %dma_start3A_18 : memref<1x96x128xf32, #tpu.memory_space<vmem>> -> memref<96x128xf32, #tpu.memory_space<vmem>>
    %dma_start3A_20 = arith.constant 0 : i32
    %dma_start3A_21 = tpu.memref_slice %arg8[%dma_start3A_20] : memref<10000xi32, #tpu.memory_space<vmem>> -> memref<96xi32, #tpu.memory_space<vmem>>
    %dma_start3A_22 = arith.constant 0 : i32
    %dma_start3A_23 = arith.constant 0 : i32
    %dma_start3A_24 = tpu.memref_slice %arg2[%dma_start3A_22, %dma_start3A_23] : memref<10000x128xf32, #tpu.memory_space<hbm>> -> memref<10000x128xf32, #tpu.memory_space<hbm>>
    tpu.enqueue_indirect_dma source(%dma_start3A_24 : memref<10000x128xf32, #tpu.memory_space<hbm>>) target(%dma_start3A_19 : memref<96x128xf32, #tpu.memory_space<vmem>>) offsets(%dma_start3A_21 : memref<96xi32, #tpu.memory_space<vmem>>) semaphore(%arg14 : memref<!tpu.dma_semaphore, #tpu.memory_space<semaphore_mem>>)
    %scan3A = arith.constant 0 : i32
    %scan3A_25 = arith.constant 0 : i32
    %scan3A_26 = arith.constant 52 : i32
    %scan3A_27 = arith.addi %scan3A_25, %scan3A_26 : i32
    %scan3A_28 = arith.constant 1 : i32
    scf.for %scan3A_55 = %scan3A_25 to %scan3A_27 step %scan3A_28  : i32 {
      %mul3A_56 = arith.constant 2 : i32
      %mul3A_57 = arith.muli %mul3A_56, %scan3A_55 : i32
      %add3A_58 = arith.constant 1 : i32
      %add3A_59 = arith.addi %mul3A_57, %add3A_58 : i32
      %mul3A_60 = arith.constant 96 : i32
      %mul3A_61 = arith.muli %mul3A_57, %mul3A_60 : i32
      %dma_wait3A_62 = arith.constant 0 : i32
      %dma_wait3A_63 = arith.constant 0 : i32
      %dma_wait3A_64 = arith.constant 0 : i32
      %dma_wait3A_65 = tpu.memref_slice %arg11[%dma_wait3A_62, %dma_wait3A_63, %dma_wait3A_64] : memref<2x96x128xf32, #tpu.memory_space<vmem>> -> memref<1x96x128xf32, #tpu.memory_space<vmem>>
      %dma_wait3A_66 = tpu.memref_squeeze %dma_wait3A_65 : memref<1x96x128xf32, #tpu.memory_space<vmem>> -> memref<96x128xf32, #tpu.memory_space<vmem>>
      %dma_wait3A_67 = tpu.memref_slice %arg8[%mul3A_61] : memref<10000xi32, #tpu.memory_space<vmem>> -> memref<96xi32, #tpu.memory_space<vmem>>
      %dma_wait3A_68 = arith.constant 0 : i32
      %dma_wait3A_69 = arith.constant 0 : i32
      %dma_wait3A_70 = tpu.memref_slice %arg2[%dma_wait3A_68, %dma_wait3A_69] : memref<10000x128xf32, #tpu.memory_space<hbm>> -> memref<10000x128xf32, #tpu.memory_space<hbm>>
      tpu.wait_indirect_dma semaphore(%arg14 : memref<!tpu.dma_semaphore, #tpu.memory_space<semaphore_mem>>) src(%dma_wait3A_70 : memref<10000x128xf32, #tpu.memory_space<hbm>>) dst(%dma_wait3A_66 : memref<96x128xf32, #tpu.memory_space<vmem>>)
      %dma_start3A_71 = arith.constant 0 : i32
      %dma_start3A_72 = arith.constant 0 : i32
      %dma_start3A_73 = arith.constant 0 : i32
      %dma_start3A_74 = arith.constant 0 : i32
      %dma_start3A_75 = tpu.memref_slice %arg11[%dma_start3A_71, %dma_start3A_73, %dma_start3A_74] : memref<2x96x128xf32, #tpu.memory_space<vmem>> -> memref<1x96x128xf32, #tpu.memory_space<vmem>>
      %dma_start3A_76 = tpu.memref_squeeze %dma_start3A_75 : memref<1x96x128xf32, #tpu.memory_space<vmem>> -> memref<96x128xf32, #tpu.memory_space<vmem>>
      %dma_start3A_77 = arith.constant 0 : i32
      %dma_start3A_78 = tpu.memref_slice %arg9[%mul3A_57, %dma_start3A_77] : memref<104x96xi32, #tpu.memory_space<vmem>> -> memref<1x96xi32, #tpu.memory_space<vmem>>
      %dma_start3A_79 = tpu.memref_squeeze %dma_start3A_78 : memref<1x96xi32, #tpu.memory_space<vmem>> -> memref<96xi32, #tpu.memory_space<vmem>>
      %dma_start3A_80 = arith.constant 0 : i32
      %dma_start3A_81 = arith.constant 0 : i32
      %dma_start3A_82 = tpu.memref_slice %arg13[%dma_start3A_80, %dma_start3A_81] : memref<10000x128xf32, #tpu.memory_space<vmem_shared>> -> memref<10000x128xf32, #tpu.memory_space<vmem_shared>>
      %dma_start3A_83 = tpu.memref_slice %arg15[%dma_start3A_72] : memref<2x!tpu.dma_semaphore, #tpu.memory_space<semaphore_mem>> -> memref<1x!tpu.dma_semaphore, #tpu.memory_space<semaphore_mem>>
      %dma_start3A_84 = tpu.memref_squeeze %dma_start3A_83 : memref<1x!tpu.dma_semaphore, #tpu.memory_space<semaphore_mem>> -> memref<!tpu.dma_semaphore, #tpu.memory_space<semaphore_mem>>
      tpu.enqueue_indirect_dma source(%dma_start3A_76 : memref<96x128xf32, #tpu.memory_space<vmem>>) target(%dma_start3A_82 : memref<10000x128xf32, #tpu.memory_space<vmem_shared>>) offsets(%dma_start3A_79 : memref<96xi32, #tpu.memory_space<vmem>>) semaphore(%dma_start3A_84 : memref<!tpu.dma_semaphore, #tpu.memory_space<semaphore_mem>>) {add = true}
      %gt3A = arith.constant 0 : i32
      %gt3A_85 = arith.cmpi sgt, %scan3A_55, %gt3A : i32
      %convert_element_type3A_86 = arith.extui %gt3A_85 : i1 to i32
      %cond3A_87 = arith.constant 0 : i32
      %cond3A_88 = arith.cmpi ne, %convert_element_type3A_86, %cond3A_87 : i32
      scf.if %cond3A_88 {
        %sub3A = arith.constant 1 : i32
        %sub3A_143 = arith.subi %mul3A_57, %sub3A : i32
        %dma_wait3A_144 = arith.constant 1 : i32
        %dma_wait3A_145 = arith.constant 1 : i32
        %dma_wait3A_146 = arith.constant 0 : i32
        %dma_wait3A_147 = arith.constant 0 : i32
        %dma_wait3A_148 = tpu.memref_slice %arg11[%dma_wait3A_144, %dma_wait3A_146, %dma_wait3A_147] : memref<2x96x128xf32, #tpu.memory_space<vmem>> -> memref<1x96x128xf32, #tpu.memory_space<vmem>>
        %dma_wait3A_149 = tpu.memref_squeeze %dma_wait3A_148 : memref<1x96x128xf32, #tpu.memory_space<vmem>> -> memref<96x128xf32, #tpu.memory_space<vmem>>
        %dma_wait3A_150 = arith.constant 0 : i32
        %dma_wait3A_151 = tpu.memref_slice %arg9[%sub3A_143, %dma_wait3A_150] : memref<104x96xi32, #tpu.memory_space<vmem>> -> memref<1x96xi32, #tpu.memory_space<vmem>>
        %dma_wait3A_152 = tpu.memref_squeeze %dma_wait3A_151 : memref<1x96xi32, #tpu.memory_space<vmem>> -> memref<96xi32, #tpu.memory_space<vmem>>
        %dma_wait3A_153 = arith.constant 0 : i32
        %dma_wait3A_154 = arith.constant 0 : i32
        %dma_wait3A_155 = tpu.memref_slice %arg13[%dma_wait3A_153, %dma_wait3A_154] : memref<10000x128xf32, #tpu.memory_space<vmem_shared>> -> memref<10000x128xf32, #tpu.memory_space<vmem_shared>>
        %dma_wait3A_156 = tpu.memref_slice %arg15[%dma_wait3A_145] : memref<2x!tpu.dma_semaphore, #tpu.memory_space<semaphore_mem>> -> memref<1x!tpu.dma_semaphore, #tpu.memory_space<semaphore_mem>>
        %dma_wait3A_157 = tpu.memref_squeeze %dma_wait3A_156 : memref<1x!tpu.dma_semaphore, #tpu.memory_space<semaphore_mem>> -> memref<!tpu.dma_semaphore, #tpu.memory_space<semaphore_mem>>
        tpu.wait_indirect_dma semaphore(%dma_wait3A_157 : memref<!tpu.dma_semaphore, #tpu.memory_space<semaphore_mem>>) src(%dma_wait3A_149 : memref<96x128xf32, #tpu.memory_space<vmem>>) dst(%dma_wait3A_155 : memref<10000x128xf32, #tpu.memory_space<vmem_shared>>)
      } else {
      }
      %mul3A_89 = arith.constant 96 : i32
      %mul3A_90 = arith.muli %add3A_59, %mul3A_89 : i32
      %dma_start3A_91 = arith.constant 1 : i32
      %dma_start3A_92 = arith.constant 0 : i32
      %dma_start3A_93 = arith.constant 0 : i32
      %dma_start3A_94 = tpu.memref_slice %arg11[%dma_start3A_91, %dma_start3A_92, %dma_start3A_93] : memref<2x96x128xf32, #tpu.memory_space<vmem>> -> memref<1x96x128xf32, #tpu.memory_space<vmem>>
      %dma_start3A_95 = tpu.memref_squeeze %dma_start3A_94 : memref<1x96x128xf32, #tpu.memory_space<vmem>> -> memref<96x128xf32, #tpu.memory_space<vmem>>
      %dma_start3A_96 = tpu.memref_slice %arg8[%mul3A_90] : memref<10000xi32, #tpu.memory_space<vmem>> -> memref<96xi32, #tpu.memory_space<vmem>>
      %dma_start3A_97 = arith.constant 0 : i32
      %dma_start3A_98 = arith.constant 0 : i32
      %dma_start3A_99 = tpu.memref_slice %arg2[%dma_start3A_97, %dma_start3A_98] : memref<10000x128xf32, #tpu.memory_space<hbm>> -> memref<10000x128xf32, #tpu.memory_space<hbm>>
      tpu.enqueue_indirect_dma source(%dma_start3A_99 : memref<10000x128xf32, #tpu.memory_space<hbm>>) target(%dma_start3A_95 : memref<96x128xf32, #tpu.memory_space<vmem>>) offsets(%dma_start3A_96 : memref<96xi32, #tpu.memory_space<vmem>>) semaphore(%arg14 : memref<!tpu.dma_semaphore, #tpu.memory_space<semaphore_mem>>)
      %mul3A_100 = arith.constant 96 : i32
      %mul3A_101 = arith.muli %add3A_59, %mul3A_100 : i32
      %dma_wait3A_102 = arith.constant 1 : i32
      %dma_wait3A_103 = arith.constant 0 : i32
      %dma_wait3A_104 = arith.constant 0 : i32
      %dma_wait3A_105 = tpu.memref_slice %arg11[%dma_wait3A_102, %dma_wait3A_103, %dma_wait3A_104] : memref<2x96x128xf32, #tpu.memory_space<vmem>> -> memref<1x96x128xf32, #tpu.memory_space<vmem>>
      %dma_wait3A_106 = tpu.memref_squeeze %dma_wait3A_105 : memref<1x96x128xf32, #tpu.memory_space<vmem>> -> memref<96x128xf32, #tpu.memory_space<vmem>>
      %dma_wait3A_107 = tpu.memref_slice %arg8[%mul3A_101] : memref<10000xi32, #tpu.memory_space<vmem>> -> memref<96xi32, #tpu.memory_space<vmem>>
      %dma_wait3A_108 = arith.constant 0 : i32
      %dma_wait3A_109 = arith.constant 0 : i32
      %dma_wait3A_110 = tpu.memref_slice %arg2[%dma_wait3A_108, %dma_wait3A_109] : memref<10000x128xf32, #tpu.memory_space<hbm>> -> memref<10000x128xf32, #tpu.memory_space<hbm>>
      tpu.wait_indirect_dma semaphore(%arg14 : memref<!tpu.dma_semaphore, #tpu.memory_space<semaphore_mem>>) src(%dma_wait3A_110 : memref<10000x128xf32, #tpu.memory_space<hbm>>) dst(%dma_wait3A_106 : memref<96x128xf32, #tpu.memory_space<vmem>>)
      %dma_start3A_111 = arith.constant 1 : i32
      %dma_start3A_112 = arith.constant 1 : i32
      %dma_start3A_113 = arith.constant 0 : i32
      %dma_start3A_114 = arith.constant 0 : i32
      %dma_start3A_115 = tpu.memref_slice %arg11[%dma_start3A_111, %dma_start3A_113, %dma_start3A_114] : memref<2x96x128xf32, #tpu.memory_space<vmem>> -> memref<1x96x128xf32, #tpu.memory_space<vmem>>
      %dma_start3A_116 = tpu.memref_squeeze %dma_start3A_115 : memref<1x96x128xf32, #tpu.memory_space<vmem>> -> memref<96x128xf32, #tpu.memory_space<vmem>>
      %dma_start3A_117 = arith.constant 0 : i32
      %dma_start3A_118 = tpu.memref_slice %arg9[%add3A_59, %dma_start3A_117] : memref<104x96xi32, #tpu.memory_space<vmem>> -> memref<1x96xi32, #tpu.memory_space<vmem>>
      %dma_start3A_119 = tpu.memref_squeeze %dma_start3A_118 : memref<1x96xi32, #tpu.memory_space<vmem>> -> memref<96xi32, #tpu.memory_space<vmem>>
      %dma_start3A_120 = arith.constant 0 : i32
      %dma_start3A_121 = arith.constant 0 : i32
      %dma_start3A_122 = tpu.memref_slice %arg13[%dma_start3A_120, %dma_start3A_121] : memref<10000x128xf32, #tpu.memory_space<vmem_shared>> -> memref<10000x128xf32, #tpu.memory_space<vmem_shared>>
      %dma_start3A_123 = tpu.memref_slice %arg15[%dma_start3A_112] : memref<2x!tpu.dma_semaphore, #tpu.memory_space<semaphore_mem>> -> memref<1x!tpu.dma_semaphore, #tpu.memory_space<semaphore_mem>>
      %dma_start3A_124 = tpu.memref_squeeze %dma_start3A_123 : memref<1x!tpu.dma_semaphore, #tpu.memory_space<semaphore_mem>> -> memref<!tpu.dma_semaphore, #tpu.memory_space<semaphore_mem>>
      tpu.enqueue_indirect_dma source(%dma_start3A_116 : memref<96x128xf32, #tpu.memory_space<vmem>>) target(%dma_start3A_122 : memref<10000x128xf32, #tpu.memory_space<vmem_shared>>) offsets(%dma_start3A_119 : memref<96xi32, #tpu.memory_space<vmem>>) semaphore(%dma_start3A_124 : memref<!tpu.dma_semaphore, #tpu.memory_space<semaphore_mem>>) {add = true}
      %dma_wait3A_125 = arith.constant 0 : i32
      %dma_wait3A_126 = arith.constant 0 : i32
      %dma_wait3A_127 = arith.constant 0 : i32
      %dma_wait3A_128 = arith.constant 0 : i32
      %dma_wait3A_129 = tpu.memref_slice %arg11[%dma_wait3A_125, %dma_wait3A_127, %dma_wait3A_128] : memref<2x96x128xf32, #tpu.memory_space<vmem>> -> memref<1x96x128xf32, #tpu.memory_space<vmem>>
      %dma_wait3A_130 = tpu.memref_squeeze %dma_wait3A_129 : memref<1x96x128xf32, #tpu.memory_space<vmem>> -> memref<96x128xf32, #tpu.memory_space<vmem>>
      %dma_wait3A_131 = arith.constant 0 : i32
      %dma_wait3A_132 = tpu.memref_slice %arg9[%mul3A_57, %dma_wait3A_131] : memref<104x96xi32, #tpu.memory_space<vmem>> -> memref<1x96xi32, #tpu.memory_space<vmem>>
      %dma_wait3A_133 = tpu.memref_squeeze %dma_wait3A_132 : memref<1x96xi32, #tpu.memory_space<vmem>> -> memref<96xi32, #tpu.memory_space<vmem>>
      %dma_wait3A_134 = arith.constant 0 : i32
      %dma_wait3A_135 = arith.constant 0 : i32
      %dma_wait3A_136 = tpu.memref_slice %arg13[%dma_wait3A_134, %dma_wait3A_135] : memref<10000x128xf32, #tpu.memory_space<vmem_shared>> -> memref<10000x128xf32, #tpu.memory_space<vmem_shared>>
      %dma_wait3A_137 = tpu.memref_slice %arg15[%dma_wait3A_126] : memref<2x!tpu.dma_semaphore, #tpu.memory_space<semaphore_mem>> -> memref<1x!tpu.dma_semaphore, #tpu.memory_space<semaphore_mem>>
      %dma_wait3A_138 = tpu.memref_squeeze %dma_wait3A_137 : memref<1x!tpu.dma_semaphore, #tpu.memory_space<semaphore_mem>> -> memref<!tpu.dma_semaphore, #tpu.memory_space<semaphore_mem>>
      tpu.wait_indirect_dma semaphore(%dma_wait3A_138 : memref<!tpu.dma_semaphore, #tpu.memory_space<semaphore_mem>>) src(%dma_wait3A_130 : memref<96x128xf32, #tpu.memory_space<vmem>>) dst(%dma_wait3A_136 : memref<10000x128xf32, #tpu.memory_space<vmem_shared>>)
      %lt3A = arith.constant 103 : i32
      %lt3A_139 = arith.cmpi slt, %add3A_59, %lt3A : i32
      %convert_element_type3A_140 = arith.extui %lt3A_139 : i1 to i32
      %cond3A_141 = arith.constant 0 : i32
      %cond3A_142 = arith.cmpi ne, %convert_element_type3A_140, %cond3A_141 : i32
      scf.if %cond3A_142 {
        %add3A_143 = arith.constant 1 : i32
        %add3A_144 = arith.addi %add3A_59, %add3A_143 : i32
        %mul3A_145 = arith.constant 96 : i32
        %mul3A_146 = arith.muli %add3A_144, %mul3A_145 : i32
        %dma_start3A_147 = arith.constant 0 : i32
        %dma_start3A_148 = arith.constant 0 : i32
        %dma_start3A_149 = arith.constant 0 : i32
        %dma_start3A_150 = tpu.memref_slice %arg11[%dma_start3A_147, %dma_start3A_148, %dma_start3A_149] : memref<2x96x128xf32, #tpu.memory_space<vmem>> -> memref<1x96x128xf32, #tpu.memory_space<vmem>>
        %dma_start3A_151 = tpu.memref_squeeze %dma_start3A_150 : memref<1x96x128xf32, #tpu.memory_space<vmem>> -> memref<96x128xf32, #tpu.memory_space<vmem>>
        %dma_start3A_152 = tpu.memref_slice %arg8[%mul3A_146] : memref<10000xi32, #tpu.memory_space<vmem>> -> memref<96xi32, #tpu.memory_space<vmem>>
        %dma_start3A_153 = arith.constant 0 : i32
        %dma_start3A_154 = arith.constant 0 : i32
        %dma_start3A_155 = tpu.memref_slice %arg2[%dma_start3A_153, %dma_start3A_154] : memref<10000x128xf32, #tpu.memory_space<hbm>> -> memref<10000x128xf32, #tpu.memory_space<hbm>>
        tpu.enqueue_indirect_dma source(%dma_start3A_155 : memref<10000x128xf32, #tpu.memory_space<hbm>>) target(%dma_start3A_151 : memref<96x128xf32, #tpu.memory_space<vmem>>) offsets(%dma_start3A_152 : memref<96xi32, #tpu.memory_space<vmem>>) semaphore(%arg14 : memref<!tpu.dma_semaphore, #tpu.memory_space<semaphore_mem>>)
      } else {
      }
    }
    %scan3A_29 = arith.constant 52 : i32
    %dma_wait3A_30 = arith.constant 1 : i32
    %dma_wait3A_31 = arith.constant 103 : i32
    %dma_wait3A_32 = arith.constant 1 : i32
    %dma_wait3A_33 = arith.constant 0 : i32
    %dma_wait3A_34 = arith.constant 0 : i32
    %dma_wait3A_35 = tpu.memref_slice %arg11[%dma_wait3A_30, %dma_wait3A_33, %dma_wait3A_34] : memref<2x96x128xf32, #tpu.memory_space<vmem>> -> memref<1x96x128xf32, #tpu.memory_space<vmem>>
    %dma_wait3A_36 = tpu.memref_squeeze %dma_wait3A_35 : memref<1x96x128xf32, #tpu.memory_space<vmem>> -> memref<96x128xf32, #tpu.memory_space<vmem>>
    %dma_wait3A_37 = arith.constant 0 : i32
    %dma_wait3A_38 = tpu.memref_slice %arg9[%dma_wait3A_31, %dma_wait3A_37] : memref<104x96xi32, #tpu.memory_space<vmem>> -> memref<1x96xi32, #tpu.memory_space<vmem>>
    %dma_wait3A_39 = tpu.memref_squeeze %dma_wait3A_38 : memref<1x96xi32, #tpu.memory_space<vmem>> -> memref<96xi32, #tpu.memory_space<vmem>>
    %dma_wait3A_40 = arith.constant 0 : i32
    %dma_wait3A_41 = arith.constant 0 : i32
    %dma_wait3A_42 = tpu.memref_slice %arg13[%dma_wait3A_40, %dma_wait3A_41] : memref<10000x128xf32, #tpu.memory_space<vmem_shared>> -> memref<10000x128xf32, #tpu.memory_space<vmem_shared>>
    %dma_wait3A_43 = tpu.memref_slice %arg15[%dma_wait3A_32] : memref<2x!tpu.dma_semaphore, #tpu.memory_space<semaphore_mem>> -> memref<1x!tpu.dma_semaphore, #tpu.memory_space<semaphore_mem>>
    %dma_wait3A_44 = tpu.memref_squeeze %dma_wait3A_43 : memref<1x!tpu.dma_semaphore, #tpu.memory_space<semaphore_mem>> -> memref<!tpu.dma_semaphore, #tpu.memory_space<semaphore_mem>>
    tpu.wait_indirect_dma semaphore(%dma_wait3A_44 : memref<!tpu.dma_semaphore, #tpu.memory_space<semaphore_mem>>) src(%dma_wait3A_36 : memref<96x128xf32, #tpu.memory_space<vmem>>) dst(%dma_wait3A_42 : memref<10000x128xf32, #tpu.memory_space<vmem_shared>>)
    %barrier3A_45 = arith.constant 0 : index
    tpu.barrier barrier_id(%barrier3A_45)
    %mul3A_46 = arith.constant 624 : i32
    %mul3A_47 = arith.muli %arg1, %mul3A_46 : i32
    %mul3A_48 = arith.constant 624 : i32
    %mul3A_49 = arith.muli %arg1, %mul3A_48 : i32
    "tpu.region"() ({
      %run_scoped3A = tpu.sem_alloc : memref<!tpu.dma_semaphore, #tpu.memory_space<semaphore_mem>>
      %dma_start3A_55 = arith.constant 0 : i32
      %dma_start3A_56 = tpu.memref_slice %arg7[%arg0, %mul3A_49, %dma_start3A_55] : memref<2x10000x128xf32, #tpu.memory_space<hbm>> -> memref<1x624x128xf32, #tpu.memory_space<hbm>>
      %dma_start3A_57 = tpu.memref_squeeze %dma_start3A_56 : memref<1x624x128xf32, #tpu.memory_space<hbm>> -> memref<624x128xf32, #tpu.memory_space<hbm>>
      %dma_start3A_58 = arith.constant 0 : i32
      %dma_start3A_59 = tpu.memref_slice %arg13[%mul3A_47, %dma_start3A_58] : memref<10000x128xf32, #tpu.memory_space<vmem_shared>> -> memref<624x128xf32, #tpu.memory_space<vmem_shared>>
      tpu.enqueue_dma source(%dma_start3A_59 : memref<624x128xf32, #tpu.memory_space<vmem_shared>>) target(%dma_start3A_57 : memref<624x128xf32, #tpu.memory_space<hbm>>) target_semaphore(%run_scoped3A : memref<!tpu.dma_semaphore, #tpu.memory_space<semaphore_mem>>)
      %dma_wait3A_60 = arith.constant 0 : i32
      %dma_wait3A_61 = tpu.memref_slice %arg7[%arg0, %mul3A_49, %dma_wait3A_60] : memref<2x10000x128xf32, #tpu.memory_space<hbm>> -> memref<1x624x128xf32, #tpu.memory_space<hbm>>
      %dma_wait3A_62 = tpu.memref_squeeze %dma_wait3A_61 : memref<1x624x128xf32, #tpu.memory_space<hbm>> -> memref<624x128xf32, #tpu.memory_space<hbm>>
      %dma_wait3A_63 = arith.constant 0 : i32
      %dma_wait3A_64 = tpu.memref_slice %arg13[%mul3A_47, %dma_wait3A_63] : memref<10000x128xf32, #tpu.memory_space<vmem_shared>> -> memref<624x128xf32, #tpu.memory_space<vmem_shared>>
      tpu.wait_dma2 semaphore(%run_scoped3A : memref<!tpu.dma_semaphore, #tpu.memory_space<semaphore_mem>>) src(%dma_wait3A_64 : memref<624x128xf32, #tpu.memory_space<vmem_shared>>) dst(%dma_wait3A_62 : memref<624x128xf32, #tpu.memory_space<hbm>>)
      tpu.yield
    }) : () -> ()
    %eq3A_50 = arith.constant 15 : i32
    %eq3A_51 = arith.cmpi eq, %arg1, %eq3A_50 : i32
    %convert_element_type3A_52 = arith.extui %eq3A_51 : i1 to i32
    %cond3A_53 = arith.constant 0 : i32
    %cond3A_54 = arith.cmpi ne, %convert_element_type3A_52, %cond3A_53 : i32
    scf.if %cond3A_54 {
      "tpu.region"() ({
        %run_scoped3A = tpu.sem_alloc : memref<!tpu.dma_semaphore, #tpu.memory_space<semaphore_mem>>
        %dma_start3A_55 = arith.constant 9984 : i32
        %dma_start3A_56 = arith.constant 0 : i32
        %dma_start3A_57 = tpu.memref_slice %arg7[%arg0, %dma_start3A_55, %dma_start3A_56] : memref<2x10000x128xf32, #tpu.memory_space<hbm>> -> memref<1x16x128xf32, #tpu.memory_space<hbm>>
        %dma_start3A_58 = tpu.memref_squeeze %dma_start3A_57 : memref<1x16x128xf32, #tpu.memory_space<hbm>> -> memref<16x128xf32, #tpu.memory_space<hbm>>
        %dma_start3A_59 = arith.constant 9984 : i32
        %dma_start3A_60 = arith.constant 0 : i32
        %dma_start3A_61 = tpu.memref_slice %arg13[%dma_start3A_59, %dma_start3A_60] : memref<10000x128xf32, #tpu.memory_space<vmem_shared>> -> memref<16x128xf32, #tpu.memory_space<vmem_shared>>
        tpu.enqueue_dma source(%dma_start3A_61 : memref<16x128xf32, #tpu.memory_space<vmem_shared>>) target(%dma_start3A_58 : memref<16x128xf32, #tpu.memory_space<hbm>>) target_semaphore(%run_scoped3A : memref<!tpu.dma_semaphore, #tpu.memory_space<semaphore_mem>>)
        %dma_wait3A_62 = arith.constant 9984 : i32
        %dma_wait3A_63 = arith.constant 0 : i32
        %dma_wait3A_64 = tpu.memref_slice %arg7[%arg0, %dma_wait3A_62, %dma_wait3A_63] : memref<2x10000x128xf32, #tpu.memory_space<hbm>> -> memref<1x16x128xf32, #tpu.memory_space<hbm>>
        %dma_wait3A_65 = tpu.memref_squeeze %dma_wait3A_64 : memref<1x16x128xf32, #tpu.memory_space<hbm>> -> memref<16x128xf32, #tpu.memory_space<hbm>>
        %dma_wait3A_66 = arith.constant 9984 : i32
        %dma_wait3A_67 = arith.constant 0 : i32
        %dma_wait3A_68 = tpu.memref_slice %arg13[%dma_wait3A_66, %dma_wait3A_67] : memref<10000x128xf32, #tpu.memory_space<vmem_shared>> -> memref<16x128xf32, #tpu.memory_space<vmem_shared>>
        tpu.wait_dma2 semaphore(%run_scoped3A : memref<!tpu.dma_semaphore, #tpu.memory_space<semaphore_mem>>) src(%dma_wait3A_68 : memref<16x128xf32, #tpu.memory_space<vmem_shared>>) dst(%dma_wait3A_65 : memref<16x128xf32, #tpu.memory_space<hbm>>)
        tpu.yield
      }) : () -> ()
    } else {
    }
    return
  }
}

module attributes {stable_mosaic.version = 14 : i64} {
  func.func @_wk_body(%arg0: i32, %arg1: memref<16x1000x128xf32, #tpu.memory_space<vmem>>, %arg2: memref<1000x128xf32, #tpu.memory_space<vmem>>, %arg3: memref<16x128xf32, #tpu.memory_space<vmem>>, %arg4: memref<9xf32, #tpu.memory_space<smem>>, %arg5: memref<16x128xf32, #tpu.memory_space<vmem>>, %arg6: memref<16x128xf32, #tpu.memory_space<vmem>>) attributes {dimension_semantics = [#tpu.dimension_semantics<arbitrary>], iteration_bounds = array<i64: 10>, scalar_prefetch = 0 : i64, scratch_operands = 1 : i64, tpu.core_type = #tpu.core_type<tc>, window_params = [{transform_indices = @transform_0, window_bounds = array<i64: 16, 1000, 128>}, {transform_indices = @transform_1, window_bounds = array<i64: 1000, 128>}, {pipeline_mode = #tpu.pipeline_mode<synchronous>, transform_indices = @transform_2, window_bounds = array<i64: 16, 128>}, {transform_indices = @transform_3, window_bounds = array<i64: 9>}, {pipeline_mode = #tpu.pipeline_mode<synchronous>, transform_indices = @transform_4, window_bounds = array<i64: 16, 128>}]} {
    %eq3A = arith.constant 0 : i32
    %eq3A_0 = arith.cmpi eq, %arg0, %eq3A : i32
    %convert_element_type3A = arith.extui %eq3A_0 : i1 to i32
    %cond3A = arith.constant 0 : i32
    %cond3A_1 = arith.cmpi ne, %convert_element_type3A, %cond3A : i32
    scf.if %cond3A_1 {
      %broadcast_in_dim3A_30 = arith.constant 0.000000e+00 : f32
      %broadcast_in_dim3A_31 = vector.broadcast %broadcast_in_dim3A_30 : f32 to vector<16x128xf32>
      %swap3A_32 = arith.constant 0 : index
      %swap3A_33 = arith.constant 0 : index
      %swap3A_34 = vector.load %arg6[%swap3A_32, %swap3A_33] : memref<16x128xf32, #tpu.memory_space<vmem>>, vector<16x128xf32>
      tpu.vector_store %arg6[%swap3A_32, %swap3A_33], %broadcast_in_dim3A_31 {strides = array<i32>} : memref<16x128xf32, #tpu.memory_space<vmem>>, vector<16x128xf32>,
    } else {
    }
    %get3A = arith.constant 0 : index
    %get3A_2 = arith.constant 0 : index
    %get3A_3 = arith.constant 0 : index
    %get3A_4 = vector.load %arg1[%get3A, %get3A_2, %get3A_3] : memref<16x1000x128xf32, #tpu.memory_space<vmem>>, vector<16x1000x128xf32>
    %get3A_5 = arith.constant 0 : index
    %get3A_6 = arith.constant 0 : index
    %get3A_7 = vector.load %arg2[%get3A_5, %get3A_6] : memref<1000x128xf32, #tpu.memory_space<vmem>>, vector<1000x128xf32>
    %get3A_8 = arith.constant 0 : index
    %get3A_9 = arith.constant 0 : index
    %get3A_10 = vector.load %arg3[%get3A_8, %get3A_9] : memref<16x128xf32, #tpu.memory_space<vmem>>, vector<16x128xf32>
    %broadcast_in_dim3A = vector.shape_cast %get3A_10 : vector<16x128xf32> to vector<16x1x128xf32>
    %add3A = vector.broadcast %broadcast_in_dim3A : vector<16x1x128xf32> to vector<16x1000x128xf32>
    %add3A_11 = arith.addf %get3A_4, %add3A : vector<16x1000x128xf32>
    %convert_element_type3A_12 = arith.truncf %add3A_11 : vector<16x1000x128xf32> to vector<16x1000x128xbf16>
    %convert_element_type3A_13 = arith.extf %convert_element_type3A_12 : vector<16x1000x128xbf16> to vector<16x1000x128xf32>
    %convert_element_type3A_14 = arith.truncf %get3A_7 : vector<1000x128xf32> to vector<1000x128xbf16>
    %convert_element_type3A_15 = arith.extf %convert_element_type3A_14 : vector<1000x128xbf16> to vector<1000x128xf32>
    %get3A_16 = arith.constant 0 : index
    %get3A_17 = arith.constant 0 : index
    %get3A_18 = vector.load %arg6[%get3A_16, %get3A_17] : memref<16x128xf32, #tpu.memory_space<vmem>>, vector<16x128xf32>
    %broadcast_in_dim3A_19 = vector.shape_cast %convert_element_type3A_15 : vector<1000x128xf32> to vector<1x1000x128xf32>
    %mul3A = vector.broadcast %broadcast_in_dim3A_19 : vector<1x1000x128xf32> to vector<16x1000x128xf32>
    %mul3A_20 = arith.mulf %convert_element_type3A_13, %mul3A : vector<16x1000x128xf32>
    %reduce_sum3A = arith.constant dense<0.000000e+00> : vector<16x128xf32>
    %reduce_sum3A_21 = vector.multi_reduction <add>, %mul3A_20, %reduce_sum3A [1] : vector<16x1000x128xf32> to vector<16x128xf32>
    %add3A_22 = arith.addf %get3A_18, %reduce_sum3A_21 : vector<16x128xf32>
    %swap3A = arith.constant 0 : index
    %swap3A_23 = arith.constant 0 : index
    %swap3A_24 = vector.load %arg6[%swap3A, %swap3A_23] : memref<16x128xf32, #tpu.memory_space<vmem>>, vector<16x128xf32>
    tpu.vector_store %arg6[%swap3A, %swap3A_23], %add3A_22 {strides = array<i32>} : memref<16x128xf32, #tpu.memory_space<vmem>>, vector<16x128xf32>,
    %eq3A_25 = arith.constant 9 : i32
    %eq3A_26 = arith.cmpi eq, %arg0, %eq3A_25 : i32
    %convert_element_type3A_27 = arith.extui %eq3A_26 : i1 to i32
    %cond3A_28 = arith.constant 0 : i32
    %cond3A_29 = arith.cmpi ne, %convert_element_type3A_27, %cond3A_28 : i32
    scf.if %cond3A_29 {
      %get3A_30 = arith.constant 0 : index
      %get3A_31 = memref.load %arg4[%get3A_30] : memref<9xf32, #tpu.memory_space<smem>>
      %get3A_32 = arith.constant 1 : index
      %get3A_33 = memref.load %arg4[%get3A_32] : memref<9xf32, #tpu.memory_space<smem>>
      %get3A_34 = arith.constant 2 : index
      %get3A_35 = memref.load %arg4[%get3A_34] : memref<9xf32, #tpu.memory_space<smem>>
      %get3A_36 = arith.constant 3 : index
      %get3A_37 = memref.load %arg4[%get3A_36] : memref<9xf32, #tpu.memory_space<smem>>
      %get3A_38 = arith.constant 4 : index
      %get3A_39 = memref.load %arg4[%get3A_38] : memref<9xf32, #tpu.memory_space<smem>>
      %get3A_40 = arith.constant 5 : index
      %get3A_41 = memref.load %arg4[%get3A_40] : memref<9xf32, #tpu.memory_space<smem>>
      %get3A_42 = arith.constant 6 : index
      %get3A_43 = memref.load %arg4[%get3A_42] : memref<9xf32, #tpu.memory_space<smem>>
      %get3A_44 = arith.constant 7 : index
      %get3A_45 = memref.load %arg4[%get3A_44] : memref<9xf32, #tpu.memory_space<smem>>
      %get3A_46 = arith.constant 8 : index
      %get3A_47 = memref.load %arg4[%get3A_46] : memref<9xf32, #tpu.memory_space<smem>>
      %get3A_48 = arith.constant 0 : index
      %get3A_49 = arith.constant 0 : index
      %get3A_50 = vector.load %arg6[%get3A_48, %get3A_49] : memref<16x128xf32, #tpu.memory_space<vmem>>, vector<16x128xf32>
      %reduce_sum3A_51 = arith.constant dense<0.000000e+00> : vector<16xf32>
      %reduce_sum3A_52 = vector.multi_reduction <add>, %get3A_50, %reduce_sum3A_51 [1] : vector<16x128xf32> to vector<16xf32>
      %broadcast_in_dim3A_53 = vector.shape_cast %reduce_sum3A_52 : vector<16xf32> to vector<16x1xf32>
      %add3A_54 = vector.broadcast %get3A_31 : f32 to vector<16x1xf32>
      %add3A_55 = arith.addf %broadcast_in_dim3A_53, %add3A_54 : vector<16x1xf32>
      %mul3A_56 = vector.broadcast %get3A_33 : f32 to vector<16x1xf32>
      %mul3A_57 = arith.mulf %mul3A_56, %add3A_55 : vector<16x1xf32>
      %add3A_58 = vector.broadcast %get3A_35 : f32 to vector<16x1xf32>
      %add3A_59 = arith.addf %mul3A_57, %add3A_58 : vector<16x1xf32>
      %add3A_60 = arith.addf %add3A_55, %add3A_59 : vector<16x1xf32>
      %mul3A_61 = vector.broadcast %get3A_37 : f32 to vector<16x1xf32>
      %mul3A_62 = arith.mulf %mul3A_61, %add3A_60 : vector<16x1xf32>
      %add3A_63 = vector.broadcast %get3A_39 : f32 to vector<16x1xf32>
      %add3A_64 = arith.addf %mul3A_62, %add3A_63 : vector<16x1xf32>
      %add3A_65 = arith.addf %add3A_55, %add3A_59 : vector<16x1xf32>
      %add3A_66 = arith.addf %add3A_65, %add3A_64 : vector<16x1xf32>
      %sub3A = vector.broadcast %get3A_45 : f32 to vector<16x1xf32>
      %sub3A_67 = arith.subf %add3A_66, %sub3A : vector<16x1xf32>
      %mul3A_68 = vector.broadcast %get3A_41 : f32 to vector<16x1xf32>
      %mul3A_69 = arith.mulf %mul3A_68, %sub3A_67 : vector<16x1xf32>
      %add3A_70 = arith.constant 1.000000e-03 : f32
      %add3A_71 = arith.addf %get3A_47, %add3A_70 : f32
      %sqrt3A = math.sqrt %add3A_71 : f32
      %div3A = vector.broadcast %sqrt3A : f32 to vector<16x1xf32>
      %div3A_72 = arith.divf %mul3A_69, %div3A : vector<16x1xf32>
      %add3A_73 = vector.broadcast %get3A_43 : f32 to vector<16x1xf32>
      %add3A_74 = arith.addf %div3A_72, %add3A_73 : vector<16x1xf32>
      %ge3A = arith.constant 0.000000e+00 : f32
      %ge3A_75 = vector.broadcast %ge3A : f32 to vector<16x1xf32>
      %ge3A_76 = arith.cmpf oge, %add3A_74, %ge3A_75 : vector<16x1xf32>
      %mul3A_77 = arith.constant 2.000000e-01 : f32
      %mul3A_78 = vector.broadcast %mul3A_77 : f32 to vector<16x1xf32>
      %mul3A_79 = arith.mulf %mul3A_78, %add3A_74 : vector<16x1xf32>
      %select_n3A = arith.select %ge3A_76, %add3A_74, %mul3A_79 : vector<16x1xi1>, vector<16x1xf32>
      %reduce_max3A = arith.constant dense<0xFF800000> : vector<1xf32>
      %reduce_max3A_80 = vector.multi_reduction <maximumf>, %select_n3A, %reduce_max3A [0] : vector<16x1xf32> to vector<1xf32>
      %broadcast_in_dim3A_81 = vector.shape_cast %reduce_max3A_80 : vector<1xf32> to vector<1x1xf32>
      %sub3A_82 = vector.broadcast %broadcast_in_dim3A_81 : vector<1x1xf32> to vector<16x1xf32>
      %sub3A_83 = arith.subf %select_n3A, %sub3A_82 : vector<16x1xf32>
      %exp3A = math.exp %sub3A_83 : vector<16x1xf32>
      %reduce_sum3A_84 = arith.constant dense<0.000000e+00> : vector<1xf32>
      %reduce_sum3A_85 = vector.multi_reduction <add>, %exp3A, %reduce_sum3A_84 [0] : vector<16x1xf32> to vector<1xf32>
      %broadcast_in_dim3A_86 = vector.shape_cast %reduce_sum3A_85 : vector<1xf32> to vector<1x1xf32>
      %div3A_87 = vector.broadcast %broadcast_in_dim3A_86 : vector<1x1xf32> to vector<16x1xf32>
      %div3A_88 = arith.divf %exp3A, %div3A_87 : vector<16x1xf32>
      %broadcast_in_dim3A_89 = vector.shape_cast %div3A_88 : vector<16x1xf32> to vector<16x1xf32>
      %broadcast_in_dim3A_90 = vector.broadcast %broadcast_in_dim3A_89 : vector<16x1xf32> to vector<16x128xf32>
      %swap3A_91 = arith.constant 0 : index
      %swap3A_92 = arith.constant 0 : index
      %swap3A_93 = vector.load %arg5[%swap3A_91, %swap3A_92] : memref<16x128xf32, #tpu.memory_space<vmem>>, vector<16x128xf32>
      tpu.vector_store %arg5[%swap3A_91, %swap3A_92], %broadcast_in_dim3A_90 {strides = array<i32>} : memref<16x128xf32, #tpu.memory_space<vmem>>, vector<16x128xf32>,
    } else {
    }
    return
  }
  func.func @transform_0(%arg0: i32) -> (i32, i32, i32) {
    %c0_i32 = arith.constant 0 : i32
    %c0_i32_0 = arith.constant 0 : i32
    %c0_i32_1 = arith.constant 0 : i32
    return %c0_i32, %arg0, %c0_i32_0 : i32, i32, i32
  }
  func.func @transform_1(%arg0: i32) -> (i32, i32) {
    %c0_i32 = arith.constant 0 : i32
    %c0_i32_0 = arith.constant 0 : i32
    return %arg0, %c0_i32 : i32, i32
  }
  func.func @transform_2(%arg0: i32) -> (i32, i32) {
    %c0_i32 = arith.constant 0 : i32
    %c0_i32_0 = arith.constant 0 : i32
    %c0_i32_1 = arith.constant 0 : i32
    return %c0_i32, %c0_i32_0 : i32, i32
  }
  func.func @transform_3(%arg0: i32) -> i32 {
    %c0_i32 = arith.constant 0 : i32
    %c0_i32_0 = arith.constant 0 : i32
    return %c0_i32 : i32
  }
  func.func @transform_4(%arg0: i32) -> (i32, i32) {
    %c0_i32 = arith.constant 0 : i32
    %c0_i32_0 = arith.constant 0 : i32
    %c0_i32_1 = arith.constant 0 : i32
    return %c0_i32, %c0_i32_0 : i32, i32
  }
}

module attributes {stable_mosaic.version = 14 : i64} {
  func.func @_si_body(%arg0: i32, %arg1: memref<16x1000x128xf32, #tpu.memory_space<vmem>>, %arg2: memref<16x128xf32, #tpu.memory_space<vmem>>, %arg3: memref<16x128xf32, #tpu.memory_space<vmem>>, %arg4: memref<1000x128xf32, #tpu.memory_space<vmem>>) attributes {dimension_semantics = [#tpu.dimension_semantics<arbitrary>], iteration_bounds = array<i64: 10>, scalar_prefetch = 0 : i64, scratch_operands = 0 : i64, tpu.core_type = #tpu.core_type<tc>, window_params = [{transform_indices = @transform_0, window_bounds = array<i64: 16, 1000, 128>}, {pipeline_mode = #tpu.pipeline_mode<synchronous>, transform_indices = @transform_1, window_bounds = array<i64: 16, 128>}, {pipeline_mode = #tpu.pipeline_mode<synchronous>, transform_indices = @transform_2, window_bounds = array<i64: 16, 128>}, {transform_indices = @transform_3, window_bounds = array<i64: 1000, 128>}]} {
    %get3A = arith.constant 0 : index
    %get3A_0 = arith.constant 0 : index
    %get3A_1 = arith.constant 0 : index
    %get3A_2 = vector.load %arg1[%get3A, %get3A_0, %get3A_1] : memref<16x1000x128xf32, #tpu.memory_space<vmem>>, vector<16x1000x128xf32>
    %get3A_3 = arith.constant 0 : index
    %get3A_4 = arith.constant 0 : index
    %get3A_5 = vector.load %arg2[%get3A_3, %get3A_4] : memref<16x128xf32, #tpu.memory_space<vmem>>, vector<16x128xf32>
    %get3A_6 = arith.constant 0 : index
    %get3A_7 = arith.constant 0 : index
    %get3A_8 = vector.load %arg3[%get3A_6, %get3A_7] : memref<16x128xf32, #tpu.memory_space<vmem>>, vector<16x128xf32>
    %mul3A = arith.mulf %get3A_5, %get3A_8 : vector<16x128xf32>
    %reduce_sum3A = arith.constant dense<0.000000e+00> : vector<128xf32>
    %reduce_sum3A_9 = vector.multi_reduction <add>, %mul3A, %reduce_sum3A [0] : vector<16x128xf32> to vector<128xf32>
    %broadcast_in_dim3A = vector.shape_cast %reduce_sum3A_9 : vector<128xf32> to vector<1x128xf32>
    %broadcast_in_dim3A_10 = vector.shape_cast %get3A_5 : vector<16x128xf32> to vector<16x1x128xf32>
    %mul3A_11 = vector.broadcast %broadcast_in_dim3A_10 : vector<16x1x128xf32> to vector<16x1000x128xf32>
    %mul3A_12 = arith.mulf %get3A_2, %mul3A_11 : vector<16x1000x128xf32>
    %reduce_sum3A_13 = arith.constant dense<0.000000e+00> : vector<1000x128xf32>
    %reduce_sum3A_14 = vector.multi_reduction <add>, %mul3A_12, %reduce_sum3A_13 [0] : vector<16x1000x128xf32> to vector<1000x128xf32>
    %add3A = vector.broadcast %broadcast_in_dim3A : vector<1x128xf32> to vector<1000x128xf32>
    %add3A_15 = arith.addf %reduce_sum3A_14, %add3A : vector<1000x128xf32>
    %swap3A = arith.constant 0 : index
    %swap3A_16 = arith.constant 0 : index
    %swap3A_17 = vector.load %arg4[%swap3A, %swap3A_16] : memref<1000x128xf32, #tpu.memory_space<vmem>>, vector<1000x128xf32>
    tpu.vector_store %arg4[%swap3A, %swap3A_16], %add3A_15 {strides = array<i32>} : memref<1000x128xf32, #tpu.memory_space<vmem>>, vector<1000x128xf32>,
    return
  }
  func.func @transform_0(%arg0: i32) -> (i32, i32, i32) {
    %c0_i32 = arith.constant 0 : i32
    %c0_i32_0 = arith.constant 0 : i32
    %c0_i32_1 = arith.constant 0 : i32
    return %c0_i32, %arg0, %c0_i32_0 : i32, i32, i32
  }
  func.func @transform_1(%arg0: i32) -> (i32, i32) {
    %c0_i32 = arith.constant 0 : i32
    %c0_i32_0 = arith.constant 0 : i32
    %c0_i32_1 = arith.constant 0 : i32
    return %c0_i32, %c0_i32_0 : i32, i32
  }
  func.func @transform_2(%arg0: i32) -> (i32, i32) {
    %c0_i32 = arith.constant 0 : i32
    %c0_i32_0 = arith.constant 0 : i32
    %c0_i32_1 = arith.constant 0 : i32
    return %c0_i32, %c0_i32_0 : i32, i32
  }
  func.func @transform_3(%arg0: i32) -> (i32, i32) {
    %c0_i32 = arith.constant 0 : i32
    %c0_i32_0 = arith.constant 0 : i32
    return %arg0, %c0_i32 : i32, i32
  }
}

module attributes {stable_mosaic.version = 14 : i64} {
  func.func @_fin_body(%arg0: memref<4x2500x128xf32, #tpu.memory_space<vmem>>, %arg1: memref<2x4x2500x128xf32, #tpu.memory_space<vmem>>, %arg2: memref<128x128xf32, #tpu.memory_space<vmem>>, %arg3: memref<1x128xf32, #tpu.memory_space<vmem>>, %arg4: memref<1x128xf32, #tpu.memory_space<vmem>>, %arg5: memref<1x128xf32, #tpu.memory_space<vmem>>, %arg6: memref<1x128xf32, #tpu.memory_space<vmem>>, %arg7: memref<1x128xf32, #tpu.memory_space<vmem>>, %arg8: memref<1x128xf32, #tpu.memory_space<vmem>>, %arg9: memref<2500x16xf32, #tpu.memory_space<vmem>>, %arg10: memref<1x16xf32, #tpu.memory_space<vmem>>, %arg11: memref<128x128xf32, #tpu.memory_space<vmem>>, %arg12: memref<1x128xf32, #tpu.memory_space<vmem>>, %arg13: memref<8xf32, #tpu.memory_space<smem>>, %arg14: memref<4x128xf32, #tpu.memory_space<vmem>>) attributes {dimension_semantics = [], scalar_prefetch = 0 : i64, scratch_operands = 0 : i64, tpu.core_type = #tpu.core_type<tc>} {
    %get3A = arith.constant 0 : index
    %get3A_0 = memref.load %arg13[%get3A] : memref<8xf32, #tpu.memory_space<smem>>
    %get3A_1 = arith.constant 1 : index
    %get3A_2 = memref.load %arg13[%get3A_1] : memref<8xf32, #tpu.memory_space<smem>>
    %get3A_3 = arith.constant 2 : index
    %get3A_4 = memref.load %arg13[%get3A_3] : memref<8xf32, #tpu.memory_space<smem>>
    %get3A_5 = arith.constant 3 : index
    %get3A_6 = memref.load %arg13[%get3A_5] : memref<8xf32, #tpu.memory_space<smem>>
    %get3A_7 = arith.constant 4 : index
    %get3A_8 = memref.load %arg13[%get3A_7] : memref<8xf32, #tpu.memory_space<smem>>
    %get3A_9 = arith.constant 5 : index
    %get3A_10 = memref.load %arg13[%get3A_9] : memref<8xf32, #tpu.memory_space<smem>>
    %get3A_11 = arith.constant 6 : index
    %get3A_12 = memref.load %arg13[%get3A_11] : memref<8xf32, #tpu.memory_space<smem>>
    %get3A_13 = arith.constant 7 : index
    %get3A_14 = memref.load %arg13[%get3A_13] : memref<8xf32, #tpu.memory_space<smem>>
    %get3A_15 = arith.constant 0 : index
    %get3A_16 = arith.constant 0 : index
    %get3A_17 = arith.constant 0 : index
    %get3A_18 = arith.constant 0 : index
    %get3A_19 = vector.load %arg1[%get3A_15, %get3A_16, %get3A_17, %get3A_18] : memref<2x4x2500x128xf32, #tpu.memory_space<vmem>>, vector<1x4x2500x128xf32>
    %get3A_20 = vector.shape_cast %get3A_19 : vector<1x4x2500x128xf32> to vector<4x2500x128xf32>
    %get3A_21 = arith.constant 1 : index
    %get3A_22 = arith.constant 0 : index
    %get3A_23 = arith.constant 0 : index
    %get3A_24 = arith.constant 0 : index
    %get3A_25 = vector.load %arg1[%get3A_21, %get3A_22, %get3A_23, %get3A_24] : memref<2x4x2500x128xf32, #tpu.memory_space<vmem>>, vector<1x4x2500x128xf32>
    %get3A_26 = vector.shape_cast %get3A_25 : vector<1x4x2500x128xf32> to vector<4x2500x128xf32>
    %add3A = arith.addf %get3A_20, %get3A_26 : vector<4x2500x128xf32>
    %get3A_27 = arith.constant 0 : index
    %get3A_28 = arith.constant 0 : index
    %get3A_29 = arith.constant 0 : index
    %get3A_30 = vector.load %arg0[%get3A_27, %get3A_28, %get3A_29] : memref<4x2500x128xf32, #tpu.memory_space<vmem>>, vector<4x2500x128xf32>
    %get3A_31 = arith.constant 0 : index
    %get3A_32 = arith.constant 0 : index
    %get3A_33 = vector.load %arg2[%get3A_31, %get3A_32] : memref<128x128xf32, #tpu.memory_space<vmem>>, vector<128x128xf32>
    %convert_element_type3A = arith.truncf %get3A_33 : vector<128x128xf32> to vector<128x128xbf16>
    %convert_element_type3A_34 = arith.extf %convert_element_type3A : vector<128x128xbf16> to vector<128x128xf32>
    %get3A_35 = arith.constant 0 : index
    %get3A_36 = arith.constant 0 : index
    %get3A_37 = vector.load %arg8[%get3A_35, %get3A_36] : memref<1x128xf32, #tpu.memory_space<vmem>>, vector<1x128xf32>
    %convert_element_type3A_38 = arith.truncf %get3A_37 : vector<1x128xf32> to vector<1x128xbf16>
    %convert_element_type3A_39 = arith.extf %convert_element_type3A_38 : vector<1x128xbf16> to vector<1x128xf32>
    %get3A_40 = arith.constant 0 : index
    %get3A_41 = arith.constant 0 : index
    %get3A_42 = vector.load %arg9[%get3A_40, %get3A_41] : memref<2500x16xf32, #tpu.memory_space<vmem>>, vector<2500x16xf32>
    %convert_element_type3A_43 = arith.truncf %get3A_42 : vector<2500x16xf32> to vector<2500x16xbf16>
    %convert_element_type3A_44 = arith.extf %convert_element_type3A_43 : vector<2500x16xbf16> to vector<2500x16xf32>
    %get3A_45 = arith.constant 0 : index
    %get3A_46 = arith.constant 0 : index
    %get3A_47 = vector.load %arg10[%get3A_45, %get3A_46] : memref<1x16xf32, #tpu.memory_space<vmem>>, vector<1x16xf32>
    %convert_element_type3A_48 = arith.truncf %get3A_47 : vector<1x16xf32> to vector<1x16xbf16>
    %convert_element_type3A_49 = arith.extf %convert_element_type3A_48 : vector<1x16xbf16> to vector<1x16xf32>
    %mul3A = vector.broadcast %convert_element_type3A_49 : vector<1x16xf32> to vector<2500x16xf32>
    %mul3A_50 = arith.mulf %convert_element_type3A_44, %mul3A : vector<2500x16xf32>
    %reduce_sum3A = arith.constant dense<0.000000e+00> : vector<2500xf32>
    %reduce_sum3A_51 = vector.multi_reduction <add>, %mul3A_50, %reduce_sum3A [1] : vector<2500x16xf32> to vector<2500xf32>
    %broadcast_in_dim3A = vector.shape_cast %reduce_sum3A_51 : vector<2500xf32> to vector<2500x1xf32>
    %add3A_52 = vector.broadcast %get3A_14 : f32 to vector<2500x1xf32>
    %add3A_53 = arith.addf %broadcast_in_dim3A, %add3A_52 : vector<2500x1xf32>
    %get3A_54 = arith.constant 0 : index
    %get3A_55 = arith.constant 0 : index
    %get3A_56 = vector.load %arg7[%get3A_54, %get3A_55] : memref<1x128xf32, #tpu.memory_space<vmem>>, vector<1x128xf32>
    %add3A_57 = arith.constant 1.000000e-03 : f32
    %add3A_58 = vector.broadcast %add3A_57 : f32 to vector<1x128xf32>
    %add3A_59 = arith.addf %get3A_56, %add3A_58 : vector<1x128xf32>
    %sqrt3A = math.sqrt %add3A_59 : vector<1x128xf32>
    %add3A_60 = arith.constant 1.000000e+00 : f32
    %add3A_61 = arith.addf %add3A_60, %get3A_0 : f32
    %slice3A = vector.extract_strided_slice %get3A_30 {offsets = [0, 0, 0], sizes = [1, 2500, 128], strides = [1, 1, 1]} : vector<4x2500x128xf32> to vector<1x2500x128xf32>
    %squeeze3A = vector.shape_cast %slice3A : vector<1x2500x128xf32> to vector<2500x128xf32>
    %mul3A_62 = vector.broadcast %add3A_61 : f32 to vector<2500x128xf32>
    %mul3A_63 = arith.mulf %mul3A_62, %squeeze3A : vector<2500x128xf32>
    %slice3A_64 = vector.extract_strided_slice %add3A {offsets = [0, 0, 0], sizes = [1, 2500, 128], strides = [1, 1, 1]} : vector<4x2500x128xf32> to vector<1x2500x128xf32>
    %squeeze3A_65 = vector.shape_cast %slice3A_64 : vector<1x2500x128xf32> to vector<2500x128xf32>
    %add3A_66 = arith.addf %mul3A_63, %squeeze3A_65 : vector<2500x128xf32>
    %convert_element_type3A_67 = arith.truncf %add3A_66 : vector<2500x128xf32> to vector<2500x128xbf16>
    %convert_element_type3A_68 = arith.extf %convert_element_type3A_67 : vector<2500x128xbf16> to vector<2500x128xf32>
    %dot_general3A = arith.constant dense<0.000000e+00> : vector<2500x128xf32>
    %dot_general3A_69 = tpu.matmul %convert_element_type3A_68, %convert_element_type3A_34, %dot_general3A {dimension_numbers = #tpu.dot_dimension_numbers<[1], [0], [0], [1], [0, 0, 1, 1], [], []>, transpose_lhs_hint = false} : vector<2500x128xf32>, vector<128x128xf32>, vector<2500x128xf32> -> vector<2500x128xf32>
    %get3A_70 = arith.constant 0 : index
    %get3A_71 = arith.constant 0 : index
    %get3A_72 = vector.load %arg3[%get3A_70, %get3A_71] : memref<1x128xf32, #tpu.memory_space<vmem>>, vector<1x128xf32>
    %add3A_73 = vector.broadcast %get3A_72 : vector<1x128xf32> to vector<2500x128xf32>
    %add3A_74 = arith.addf %dot_general3A_69, %add3A_73 : vector<2500x128xf32>
    %get3A_75 = arith.constant 0 : index
    %get3A_76 = arith.constant 0 : index
    %get3A_77 = vector.load %arg4[%get3A_75, %get3A_76] : memref<1x128xf32, #tpu.memory_space<vmem>>, vector<1x128xf32>
    %get3A_78 = arith.constant 0 : index
    %get3A_79 = arith.constant 0 : index
    %get3A_80 = vector.load %arg6[%get3A_78, %get3A_79] : memref<1x128xf32, #tpu.memory_space<vmem>>, vector<1x128xf32>
    %sub3A = vector.broadcast %get3A_80 : vector<1x128xf32> to vector<2500x128xf32>
    %sub3A_81 = arith.subf %add3A_74, %sub3A : vector<2500x128xf32>
    %mul3A_82 = vector.broadcast %get3A_77 : vector<1x128xf32> to vector<2500x128xf32>
    %mul3A_83 = arith.mulf %mul3A_82, %sub3A_81 : vector<2500x128xf32>
    %div3A = vector.broadcast %sqrt3A : vector<1x128xf32> to vector<2500x128xf32>
    %div3A_84 = arith.divf %mul3A_83, %div3A : vector<2500x128xf32>
    %get3A_85 = arith.constant 0 : index
    %get3A_86 = arith.constant 0 : index
    %get3A_87 = vector.load %arg5[%get3A_85, %get3A_86] : memref<1x128xf32, #tpu.memory_space<vmem>>, vector<1x128xf32>
    %add3A_88 = vector.broadcast %get3A_87 : vector<1x128xf32> to vector<2500x128xf32>
    %add3A_89 = arith.addf %div3A_84, %add3A_88 : vector<2500x128xf32>
    %ge3A = arith.constant 0.000000e+00 : f32
    %ge3A_90 = vector.broadcast %ge3A : f32 to vector<2500x128xf32>
    %ge3A_91 = arith.cmpf oge, %add3A_89, %ge3A_90 : vector<2500x128xf32>
    %mul3A_92 = arith.constant 2.000000e-01 : f32
    %mul3A_93 = vector.broadcast %mul3A_92 : f32 to vector<2500x128xf32>
    %mul3A_94 = arith.mulf %mul3A_93, %add3A_89 : vector<2500x128xf32>
    %select_n3A = arith.select %ge3A_91, %add3A_89, %mul3A_94 : vector<2500x128xi1>, vector<2500x128xf32>
    %reduce_max3A = arith.constant dense<0xFF800000> : vector<128xf32>
    %reduce_max3A_95 = vector.multi_reduction <maximumf>, %select_n3A, %reduce_max3A [0] : vector<2500x128xf32> to vector<128xf32>
    %broadcast_in_dim3A_96 = vector.shape_cast %reduce_max3A_95 : vector<128xf32> to vector<1x128xf32>
    %sub3A_97 = vector.broadcast %broadcast_in_dim3A_96 : vector<1x128xf32> to vector<2500x128xf32>
    %sub3A_98 = arith.subf %select_n3A, %sub3A_97 : vector<2500x128xf32>
    %exp3A = math.exp %sub3A_98 : vector<2500x128xf32>
    %add3A_99 = arith.constant 1.000000e+00 : f32
    %add3A_100 = arith.addf %add3A_99, %get3A_2 : f32
    %slice3A_101 = vector.extract_strided_slice %get3A_30 {offsets = [0, 0, 0], sizes = [1, 2500, 128], strides = [1, 1, 1]} : vector<4x2500x128xf32> to vector<1x2500x128xf32>
    %squeeze3A_102 = vector.shape_cast %slice3A_101 : vector<1x2500x128xf32> to vector<2500x128xf32>
    %mul3A_103 = vector.broadcast %add3A_100 : f32 to vector<2500x128xf32>
    %mul3A_104 = arith.mulf %mul3A_103, %squeeze3A_102 : vector<2500x128xf32>
    %slice3A_105 = vector.extract_strided_slice %add3A {offsets = [0, 0, 0], sizes = [1, 2500, 128], strides = [1, 1, 1]} : vector<4x2500x128xf32> to vector<1x2500x128xf32>
    %squeeze3A_106 = vector.shape_cast %slice3A_105 : vector<1x2500x128xf32> to vector<2500x128xf32>
    %add3A_107 = arith.addf %mul3A_104, %squeeze3A_106 : vector<2500x128xf32>
    %convert_element_type3A_108 = arith.truncf %add3A_107 : vector<2500x128xf32> to vector<2500x128xbf16>
    %convert_element_type3A_109 = arith.extf %convert_element_type3A_108 : vector<2500x128xbf16> to vector<2500x128xf32>
    %mul3A_110 = vector.broadcast %convert_element_type3A_39 : vector<1x128xf32> to vector<2500x128xf32>
    %mul3A_111 = arith.mulf %convert_element_type3A_109, %mul3A_110 : vector<2500x128xf32>
    %reduce_sum3A_112 = arith.constant dense<0.000000e+00> : vector<2500xf32>
    %reduce_sum3A_113 = vector.multi_reduction <add>, %mul3A_111, %reduce_sum3A_112 [1] : vector<2500x128xf32> to vector<2500xf32>
    %broadcast_in_dim3A_114 = vector.shape_cast %reduce_sum3A_113 : vector<2500xf32> to vector<2500x1xf32>
    %add3A_115 = vector.broadcast %get3A_4 : f32 to vector<2500x1xf32>
    %add3A_116 = arith.addf %broadcast_in_dim3A_114, %add3A_115 : vector<2500x1xf32>
    %sub3A_117 = vector.broadcast %get3A_10 : f32 to vector<2500x1xf32>
    %sub3A_118 = arith.subf %add3A_116, %sub3A_117 : vector<2500x1xf32>
    %mul3A_119 = vector.broadcast %get3A_6 : f32 to vector<2500x1xf32>
    %mul3A_120 = arith.mulf %mul3A_119, %sub3A_118 : vector<2500x1xf32>
    %add3A_121 = arith.constant 1.000000e-03 : f32
    %add3A_122 = arith.addf %get3A_12, %add3A_121 : f32
    %sqrt3A_123 = math.sqrt %add3A_122 : f32
    %div3A_124 = vector.broadcast %sqrt3A_123 : f32 to vector<2500x1xf32>
    %div3A_125 = arith.divf %mul3A_120, %div3A_124 : vector<2500x1xf32>
    %add3A_126 = vector.broadcast %get3A_8 : f32 to vector<2500x1xf32>
    %add3A_127 = arith.addf %div3A_125, %add3A_126 : vector<2500x1xf32>
    %ge3A_128 = arith.constant 0.000000e+00 : f32
    %ge3A_129 = vector.broadcast %ge3A_128 : f32 to vector<2500x1xf32>
    %ge3A_130 = arith.cmpf oge, %add3A_127, %ge3A_129 : vector<2500x1xf32>
    %mul3A_131 = arith.constant 2.000000e-01 : f32
    %mul3A_132 = vector.broadcast %mul3A_131 : f32 to vector<2500x1xf32>
    %mul3A_133 = arith.mulf %mul3A_132, %add3A_127 : vector<2500x1xf32>
    %select_n3A_134 = arith.select %ge3A_130, %add3A_127, %mul3A_133 : vector<2500x1xi1>, vector<2500x1xf32>
    %add3A_135 = arith.addf %select_n3A_134, %add3A_53 : vector<2500x1xf32>
    %mul3A_136 = vector.broadcast %add3A_135 : vector<2500x1xf32> to vector<2500x128xf32>
    %mul3A_137 = arith.mulf %exp3A, %mul3A_136 : vector<2500x128xf32>
    %reduce_sum3A_138 = arith.constant dense<0.000000e+00> : vector<128xf32>
    %reduce_sum3A_139 = vector.multi_reduction <add>, %mul3A_137, %reduce_sum3A_138 [0] : vector<2500x128xf32> to vector<128xf32>
    %broadcast_in_dim3A_140 = vector.shape_cast %reduce_sum3A_139 : vector<128xf32> to vector<1x128xf32>
    %reduce_sum3A_141 = arith.constant dense<0.000000e+00> : vector<128xf32>
    %reduce_sum3A_142 = vector.multi_reduction <add>, %exp3A, %reduce_sum3A_141 [0] : vector<2500x128xf32> to vector<128xf32>
    %broadcast_in_dim3A_143 = vector.shape_cast %reduce_sum3A_142 : vector<128xf32> to vector<1x128xf32>
    %div3A_144 = arith.divf %broadcast_in_dim3A_140, %broadcast_in_dim3A_143 : vector<1x128xf32>
    %add3A_145 = arith.constant 1.000000e+00 : f32
    %add3A_146 = arith.addf %add3A_145, %get3A_0 : f32
    %slice3A_147 = vector.extract_strided_slice %get3A_30 {offsets = [1, 0, 0], sizes = [1, 2500, 128], strides = [1, 1, 1]} : vector<4x2500x128xf32> to vector<1x2500x128xf32>
    %squeeze3A_148 = vector.shape_cast %slice3A_147 : vector<1x2500x128xf32> to vector<2500x128xf32>
    %mul3A_149 = vector.broadcast %add3A_146 : f32 to vector<2500x128xf32>
    %mul3A_150 = arith.mulf %mul3A_149, %squeeze3A_148 : vector<2500x128xf32>
    %slice3A_151 = vector.extract_strided_slice %add3A {offsets = [1, 0, 0], sizes = [1, 2500, 128], strides = [1, 1, 1]} : vector<4x2500x128xf32> to vector<1x2500x128xf32>
    %squeeze3A_152 = vector.shape_cast %slice3A_151 : vector<1x2500x128xf32> to vector<2500x128xf32>
    %add3A_153 = arith.addf %mul3A_150, %squeeze3A_152 : vector<2500x128xf32>
    %convert_element_type3A_154 = arith.truncf %add3A_153 : vector<2500x128xf32> to vector<2500x128xbf16>
    %convert_element_type3A_155 = arith.extf %convert_element_type3A_154 : vector<2500x128xbf16> to vector<2500x128xf32>
    %dot_general3A_156 = arith.constant dense<0.000000e+00> : vector<2500x128xf32>
    %dot_general3A_157 = tpu.matmul %convert_element_type3A_155, %convert_element_type3A_34, %dot_general3A_156 {dimension_numbers = #tpu.dot_dimension_numbers<[1], [0], [0], [1], [0, 0, 1, 1], [], []>, transpose_lhs_hint = false} : vector<2500x128xf32>, vector<128x128xf32>, vector<2500x128xf32> -> vector<2500x128xf32>
    %get3A_158 = arith.constant 0 : index
    %get3A_159 = arith.constant 0 : index
    %get3A_160 = vector.load %arg3[%get3A_158, %get3A_159] : memref<1x128xf32, #tpu.memory_space<vmem>>, vector<1x128xf32>
    %add3A_161 = vector.broadcast %get3A_160 : vector<1x128xf32> to vector<2500x128xf32>
    %add3A_162 = arith.addf %dot_general3A_157, %add3A_161 : vector<2500x128xf32>
    %get3A_163 = arith.constant 0 : index
    %get3A_164 = arith.constant 0 : index
    %get3A_165 = vector.load %arg4[%get3A_163, %get3A_164] : memref<1x128xf32, #tpu.memory_space<vmem>>, vector<1x128xf32>
    %get3A_166 = arith.constant 0 : index
    %get3A_167 = arith.constant 0 : index
    %get3A_168 = vector.load %arg6[%get3A_166, %get3A_167] : memref<1x128xf32, #tpu.memory_space<vmem>>, vector<1x128xf32>
    %sub3A_169 = vector.broadcast %get3A_168 : vector<1x128xf32> to vector<2500x128xf32>
    %sub3A_170 = arith.subf %add3A_162, %sub3A_169 : vector<2500x128xf32>
    %mul3A_171 = vector.broadcast %get3A_165 : vector<1x128xf32> to vector<2500x128xf32>
    %mul3A_172 = arith.mulf %mul3A_171, %sub3A_170 : vector<2500x128xf32>
    %div3A_173 = vector.broadcast %sqrt3A : vector<1x128xf32> to vector<2500x128xf32>
    %div3A_174 = arith.divf %mul3A_172, %div3A_173 : vector<2500x128xf32>
    %get3A_175 = arith.constant 0 : index
    %get3A_176 = arith.constant 0 : index
    %get3A_177 = vector.load %arg5[%get3A_175, %get3A_176] : memref<1x128xf32, #tpu.memory_space<vmem>>, vector<1x128xf32>
    %add3A_178 = vector.broadcast %get3A_177 : vector<1x128xf32> to vector<2500x128xf32>
    %add3A_179 = arith.addf %div3A_174, %add3A_178 : vector<2500x128xf32>
    %ge3A_180 = arith.constant 0.000000e+00 : f32
    %ge3A_181 = vector.broadcast %ge3A_180 : f32 to vector<2500x128xf32>
    %ge3A_182 = arith.cmpf oge, %add3A_179, %ge3A_181 : vector<2500x128xf32>
    %mul3A_183 = arith.constant 2.000000e-01 : f32
    %mul3A_184 = vector.broadcast %mul3A_183 : f32 to vector<2500x128xf32>
    %mul3A_185 = arith.mulf %mul3A_184, %add3A_179 : vector<2500x128xf32>
    %select_n3A_186 = arith.select %ge3A_182, %add3A_179, %mul3A_185 : vector<2500x128xi1>, vector<2500x128xf32>
    %reduce_max3A_187 = arith.constant dense<0xFF800000> : vector<128xf32>
    %reduce_max3A_188 = vector.multi_reduction <maximumf>, %select_n3A_186, %reduce_max3A_187 [0] : vector<2500x128xf32> to vector<128xf32>
    %broadcast_in_dim3A_189 = vector.shape_cast %reduce_max3A_188 : vector<128xf32> to vector<1x128xf32>
    %sub3A_190 = vector.broadcast %broadcast_in_dim3A_189 : vector<1x128xf32> to vector<2500x128xf32>
    %sub3A_191 = arith.subf %select_n3A_186, %sub3A_190 : vector<2500x128xf32>
    %exp3A_192 = math.exp %sub3A_191 : vector<2500x128xf32>
    %add3A_193 = arith.constant 1.000000e+00 : f32
    %add3A_194 = arith.addf %add3A_193, %get3A_2 : f32
    %slice3A_195 = vector.extract_strided_slice %get3A_30 {offsets = [1, 0, 0], sizes = [1, 2500, 128], strides = [1, 1, 1]} : vector<4x2500x128xf32> to vector<1x2500x128xf32>
    %squeeze3A_196 = vector.shape_cast %slice3A_195 : vector<1x2500x128xf32> to vector<2500x128xf32>
    %mul3A_197 = vector.broadcast %add3A_194 : f32 to vector<2500x128xf32>
    %mul3A_198 = arith.mulf %mul3A_197, %squeeze3A_196 : vector<2500x128xf32>
    %slice3A_199 = vector.extract_strided_slice %add3A {offsets = [1, 0, 0], sizes = [1, 2500, 128], strides = [1, 1, 1]} : vector<4x2500x128xf32> to vector<1x2500x128xf32>
    %squeeze3A_200 = vector.shape_cast %slice3A_199 : vector<1x2500x128xf32> to vector<2500x128xf32>
    %add3A_201 = arith.addf %mul3A_198, %squeeze3A_200 : vector<2500x128xf32>
    %convert_element_type3A_202 = arith.truncf %add3A_201 : vector<2500x128xf32> to vector<2500x128xbf16>
    %convert_element_type3A_203 = arith.extf %convert_element_type3A_202 : vector<2500x128xbf16> to vector<2500x128xf32>
    %mul3A_204 = vector.broadcast %convert_element_type3A_39 : vector<1x128xf32> to vector<2500x128xf32>
    %mul3A_205 = arith.mulf %convert_element_type3A_203, %mul3A_204 : vector<2500x128xf32>
    %reduce_sum3A_206 = arith.constant dense<0.000000e+00> : vector<2500xf32>
    %reduce_sum3A_207 = vector.multi_reduction <add>, %mul3A_205, %reduce_sum3A_206 [1] : vector<2500x128xf32> to vector<2500xf32>
    %broadcast_in_dim3A_208 = vector.shape_cast %reduce_sum3A_207 : vector<2500xf32> to vector<2500x1xf32>
    %add3A_209 = vector.broadcast %get3A_4 : f32 to vector<2500x1xf32>
    %add3A_210 = arith.addf %broadcast_in_dim3A_208, %add3A_209 : vector<2500x1xf32>
    %sub3A_211 = vector.broadcast %get3A_10 : f32 to vector<2500x1xf32>
    %sub3A_212 = arith.subf %add3A_210, %sub3A_211 : vector<2500x1xf32>
    %mul3A_213 = vector.broadcast %get3A_6 : f32 to vector<2500x1xf32>
    %mul3A_214 = arith.mulf %mul3A_213, %sub3A_212 : vector<2500x1xf32>
    %add3A_215 = arith.constant 1.000000e-03 : f32
    %add3A_216 = arith.addf %get3A_12, %add3A_215 : f32
    %sqrt3A_217 = math.sqrt %add3A_216 : f32
    %div3A_218 = vector.broadcast %sqrt3A_217 : f32 to vector<2500x1xf32>
    %div3A_219 = arith.divf %mul3A_214, %div3A_218 : vector<2500x1xf32>
    %add3A_220 = vector.broadcast %get3A_8 : f32 to vector<2500x1xf32>
    %add3A_221 = arith.addf %div3A_219, %add3A_220 : vector<2500x1xf32>
    %ge3A_222 = arith.constant 0.000000e+00 : f32
    %ge3A_223 = vector.broadcast %ge3A_222 : f32 to vector<2500x1xf32>
    %ge3A_224 = arith.cmpf oge, %add3A_221, %ge3A_223 : vector<2500x1xf32>
    %mul3A_225 = arith.constant 2.000000e-01 : f32
    %mul3A_226 = vector.broadcast %mul3A_225 : f32 to vector<2500x1xf32>
    %mul3A_227 = arith.mulf %mul3A_226, %add3A_221 : vector<2500x1xf32>
    %select_n3A_228 = arith.select %ge3A_224, %add3A_221, %mul3A_227 : vector<2500x1xi1>, vector<2500x1xf32>
    %add3A_229 = arith.addf %select_n3A_228, %add3A_53 : vector<2500x1xf32>
    %mul3A_230 = vector.broadcast %add3A_229 : vector<2500x1xf32> to vector<2500x128xf32>
    %mul3A_231 = arith.mulf %exp3A_192, %mul3A_230 : vector<2500x128xf32>
    %reduce_sum3A_232 = arith.constant dense<0.000000e+00> : vector<128xf32>
    %reduce_sum3A_233 = vector.multi_reduction <add>, %mul3A_231, %reduce_sum3A_232 [0] : vector<2500x128xf32> to vector<128xf32>
    %broadcast_in_dim3A_234 = vector.shape_cast %reduce_sum3A_233 : vector<128xf32> to vector<1x128xf32>
    %reduce_sum3A_235 = arith.constant dense<0.000000e+00> : vector<128xf32>
    %reduce_sum3A_236 = vector.multi_reduction <add>, %exp3A_192, %reduce_sum3A_235 [0] : vector<2500x128xf32> to vector<128xf32>
    %broadcast_in_dim3A_237 = vector.shape_cast %reduce_sum3A_236 : vector<128xf32> to vector<1x128xf32>
    %div3A_238 = arith.divf %broadcast_in_dim3A_234, %broadcast_in_dim3A_237 : vector<1x128xf32>
    %add3A_239 = arith.constant 1.000000e+00 : f32
    %add3A_240 = arith.addf %add3A_239, %get3A_0 : f32
    %slice3A_241 = vector.extract_strided_slice %get3A_30 {offsets = [2, 0, 0], sizes = [1, 2500, 128], strides = [1, 1, 1]} : vector<4x2500x128xf32> to vector<1x2500x128xf32>
    %squeeze3A_242 = vector.shape_cast %slice3A_241 : vector<1x2500x128xf32> to vector<2500x128xf32>
    %mul3A_243 = vector.broadcast %add3A_240 : f32 to vector<2500x128xf32>
    %mul3A_244 = arith.mulf %mul3A_243, %squeeze3A_242 : vector<2500x128xf32>
    %slice3A_245 = vector.extract_strided_slice %add3A {offsets = [2, 0, 0], sizes = [1, 2500, 128], strides = [1, 1, 1]} : vector<4x2500x128xf32> to vector<1x2500x128xf32>
    %squeeze3A_246 = vector.shape_cast %slice3A_245 : vector<1x2500x128xf32> to vector<2500x128xf32>
    %add3A_247 = arith.addf %mul3A_244, %squeeze3A_246 : vector<2500x128xf32>
    %convert_element_type3A_248 = arith.truncf %add3A_247 : vector<2500x128xf32> to vector<2500x128xbf16>
    %convert_element_type3A_249 = arith.extf %convert_element_type3A_248 : vector<2500x128xbf16> to vector<2500x128xf32>
    %dot_general3A_250 = arith.constant dense<0.000000e+00> : vector<2500x128xf32>
    %dot_general3A_251 = tpu.matmul %convert_element_type3A_249, %convert_element_type3A_34, %dot_general3A_250 {dimension_numbers = #tpu.dot_dimension_numbers<[1], [0], [0], [1], [0, 0, 1, 1], [], []>, transpose_lhs_hint = false} : vector<2500x128xf32>, vector<128x128xf32>, vector<2500x128xf32> -> vector<2500x128xf32>
    %get3A_252 = arith.constant 0 : index
    %get3A_253 = arith.constant 0 : index
    %get3A_254 = vector.load %arg3[%get3A_252, %get3A_253] : memref<1x128xf32, #tpu.memory_space<vmem>>, vector<1x128xf32>
    %add3A_255 = vector.broadcast %get3A_254 : vector<1x128xf32> to vector<2500x128xf32>
    %add3A_256 = arith.addf %dot_general3A_251, %add3A_255 : vector<2500x128xf32>
    %get3A_257 = arith.constant 0 : index
    %get3A_258 = arith.constant 0 : index
    %get3A_259 = vector.load %arg4[%get3A_257, %get3A_258] : memref<1x128xf32, #tpu.memory_space<vmem>>, vector<1x128xf32>
    %get3A_260 = arith.constant 0 : index
    %get3A_261 = arith.constant 0 : index
    %get3A_262 = vector.load %arg6[%get3A_260, %get3A_261] : memref<1x128xf32, #tpu.memory_space<vmem>>, vector<1x128xf32>
    %sub3A_263 = vector.broadcast %get3A_262 : vector<1x128xf32> to vector<2500x128xf32>
    %sub3A_264 = arith.subf %add3A_256, %sub3A_263 : vector<2500x128xf32>
    %mul3A_265 = vector.broadcast %get3A_259 : vector<1x128xf32> to vector<2500x128xf32>
    %mul3A_266 = arith.mulf %mul3A_265, %sub3A_264 : vector<2500x128xf32>
    %div3A_267 = vector.broadcast %sqrt3A : vector<1x128xf32> to vector<2500x128xf32>
    %div3A_268 = arith.divf %mul3A_266, %div3A_267 : vector<2500x128xf32>
    %get3A_269 = arith.constant 0 : index
    %get3A_270 = arith.constant 0 : index
    %get3A_271 = vector.load %arg5[%get3A_269, %get3A_270] : memref<1x128xf32, #tpu.memory_space<vmem>>, vector<1x128xf32>
    %add3A_272 = vector.broadcast %get3A_271 : vector<1x128xf32> to vector<2500x128xf32>
    %add3A_273 = arith.addf %div3A_268, %add3A_272 : vector<2500x128xf32>
    %ge3A_274 = arith.constant 0.000000e+00 : f32
    %ge3A_275 = vector.broadcast %ge3A_274 : f32 to vector<2500x128xf32>
    %ge3A_276 = arith.cmpf oge, %add3A_273, %ge3A_275 : vector<2500x128xf32>
    %mul3A_277 = arith.constant 2.000000e-01 : f32
    %mul3A_278 = vector.broadcast %mul3A_277 : f32 to vector<2500x128xf32>
    %mul3A_279 = arith.mulf %mul3A_278, %add3A_273 : vector<2500x128xf32>
    %select_n3A_280 = arith.select %ge3A_276, %add3A_273, %mul3A_279 : vector<2500x128xi1>, vector<2500x128xf32>
    %reduce_max3A_281 = arith.constant dense<0xFF800000> : vector<128xf32>
    %reduce_max3A_282 = vector.multi_reduction <maximumf>, %select_n3A_280, %reduce_max3A_281 [0] : vector<2500x128xf32> to vector<128xf32>
    %broadcast_in_dim3A_283 = vector.shape_cast %reduce_max3A_282 : vector<128xf32> to vector<1x128xf32>
    %sub3A_284 = vector.broadcast %broadcast_in_dim3A_283 : vector<1x128xf32> to vector<2500x128xf32>
    %sub3A_285 = arith.subf %select_n3A_280, %sub3A_284 : vector<2500x128xf32>
    %exp3A_286 = math.exp %sub3A_285 : vector<2500x128xf32>
    %add3A_287 = arith.constant 1.000000e+00 : f32
    %add3A_288 = arith.addf %add3A_287, %get3A_2 : f32
    %slice3A_289 = vector.extract_strided_slice %get3A_30 {offsets = [2, 0, 0], sizes = [1, 2500, 128], strides = [1, 1, 1]} : vector<4x2500x128xf32> to vector<1x2500x128xf32>
    %squeeze3A_290 = vector.shape_cast %slice3A_289 : vector<1x2500x128xf32> to vector<2500x128xf32>
    %mul3A_291 = vector.broadcast %add3A_288 : f32 to vector<2500x128xf32>
    %mul3A_292 = arith.mulf %mul3A_291, %squeeze3A_290 : vector<2500x128xf32>
    %slice3A_293 = vector.extract_strided_slice %add3A {offsets = [2, 0, 0], sizes = [1, 2500, 128], strides = [1, 1, 1]} : vector<4x2500x128xf32> to vector<1x2500x128xf32>
    %squeeze3A_294 = vector.shape_cast %slice3A_293 : vector<1x2500x128xf32> to vector<2500x128xf32>
    %add3A_295 = arith.addf %mul3A_292, %squeeze3A_294 : vector<2500x128xf32>
    %convert_element_type3A_296 = arith.truncf %add3A_295 : vector<2500x128xf32> to vector<2500x128xbf16>
    %convert_element_type3A_297 = arith.extf %convert_element_type3A_296 : vector<2500x128xbf16> to vector<2500x128xf32>
    %mul3A_298 = vector.broadcast %convert_element_type3A_39 : vector<1x128xf32> to vector<2500x128xf32>
    %mul3A_299 = arith.mulf %convert_element_type3A_297, %mul3A_298 : vector<2500x128xf32>
    %reduce_sum3A_300 = arith.constant dense<0.000000e+00> : vector<2500xf32>
    %reduce_sum3A_301 = vector.multi_reduction <add>, %mul3A_299, %reduce_sum3A_300 [1] : vector<2500x128xf32> to vector<2500xf32>
    %broadcast_in_dim3A_302 = vector.shape_cast %reduce_sum3A_301 : vector<2500xf32> to vector<2500x1xf32>
    %add3A_303 = vector.broadcast %get3A_4 : f32 to vector<2500x1xf32>
    %add3A_304 = arith.addf %broadcast_in_dim3A_302, %add3A_303 : vector<2500x1xf32>
    %sub3A_305 = vector.broadcast %get3A_10 : f32 to vector<2500x1xf32>
    %sub3A_306 = arith.subf %add3A_304, %sub3A_305 : vector<2500x1xf32>
    %mul3A_307 = vector.broadcast %get3A_6 : f32 to vector<2500x1xf32>
    %mul3A_308 = arith.mulf %mul3A_307, %sub3A_306 : vector<2500x1xf32>
    %add3A_309 = arith.constant 1.000000e-03 : f32
    %add3A_310 = arith.addf %get3A_12, %add3A_309 : f32
    %sqrt3A_311 = math.sqrt %add3A_310 : f32
    %div3A_312 = vector.broadcast %sqrt3A_311 : f32 to vector<2500x1xf32>
    %div3A_313 = arith.divf %mul3A_308, %div3A_312 : vector<2500x1xf32>
    %add3A_314 = vector.broadcast %get3A_8 : f32 to vector<2500x1xf32>
    %add3A_315 = arith.addf %div3A_313, %add3A_314 : vector<2500x1xf32>
    %ge3A_316 = arith.constant 0.000000e+00 : f32
    %ge3A_317 = vector.broadcast %ge3A_316 : f32 to vector<2500x1xf32>
    %ge3A_318 = arith.cmpf oge, %add3A_315, %ge3A_317 : vector<2500x1xf32>
    %mul3A_319 = arith.constant 2.000000e-01 : f32
    %mul3A_320 = vector.broadcast %mul3A_319 : f32 to vector<2500x1xf32>
    %mul3A_321 = arith.mulf %mul3A_320, %add3A_315 : vector<2500x1xf32>
    %select_n3A_322 = arith.select %ge3A_318, %add3A_315, %mul3A_321 : vector<2500x1xi1>, vector<2500x1xf32>
    %add3A_323 = arith.addf %select_n3A_322, %add3A_53 : vector<2500x1xf32>
    %mul3A_324 = vector.broadcast %add3A_323 : vector<2500x1xf32> to vector<2500x128xf32>
    %mul3A_325 = arith.mulf %exp3A_286, %mul3A_324 : vector<2500x128xf32>
    %reduce_sum3A_326 = arith.constant dense<0.000000e+00> : vector<128xf32>
    %reduce_sum3A_327 = vector.multi_reduction <add>, %mul3A_325, %reduce_sum3A_326 [0] : vector<2500x128xf32> to vector<128xf32>
    %broadcast_in_dim3A_328 = vector.shape_cast %reduce_sum3A_327 : vector<128xf32> to vector<1x128xf32>
    %reduce_sum3A_329 = arith.constant dense<0.000000e+00> : vector<128xf32>
    %reduce_sum3A_330 = vector.multi_reduction <add>, %exp3A_286, %reduce_sum3A_329 [0] : vector<2500x128xf32> to vector<128xf32>
    %broadcast_in_dim3A_331 = vector.shape_cast %reduce_sum3A_330 : vector<128xf32> to vector<1x128xf32>
    %div3A_332 = arith.divf %broadcast_in_dim3A_328, %broadcast_in_dim3A_331 : vector<1x128xf32>
    %add3A_333 = arith.constant 1.000000e+00 : f32
    %add3A_334 = arith.addf %add3A_333, %get3A_0 : f32
    %slice3A_335 = vector.extract_strided_slice %get3A_30 {offsets = [3, 0, 0], sizes = [1, 2500, 128], strides = [1, 1, 1]} : vector<4x2500x128xf32> to vector<1x2500x128xf32>
    %squeeze3A_336 = vector.shape_cast %slice3A_335 : vector<1x2500x128xf32> to vector<2500x128xf32>
    %mul3A_337 = vector.broadcast %add3A_334 : f32 to vector<2500x128xf32>
    %mul3A_338 = arith.mulf %mul3A_337, %squeeze3A_336 : vector<2500x128xf32>
    %slice3A_339 = vector.extract_strided_slice %add3A {offsets = [3, 0, 0], sizes = [1, 2500, 128], strides = [1, 1, 1]} : vector<4x2500x128xf32> to vector<1x2500x128xf32>
    %squeeze3A_340 = vector.shape_cast %slice3A_339 : vector<1x2500x128xf32> to vector<2500x128xf32>
    %add3A_341 = arith.addf %mul3A_338, %squeeze3A_340 : vector<2500x128xf32>
    %convert_element_type3A_342 = arith.truncf %add3A_341 : vector<2500x128xf32> to vector<2500x128xbf16>
    %convert_element_type3A_343 = arith.extf %convert_element_type3A_342 : vector<2500x128xbf16> to vector<2500x128xf32>
    %dot_general3A_344 = arith.constant dense<0.000000e+00> : vector<2500x128xf32>
    %dot_general3A_345 = tpu.matmul %convert_element_type3A_343, %convert_element_type3A_34, %dot_general3A_344 {dimension_numbers = #tpu.dot_dimension_numbers<[1], [0], [0], [1], [0, 0, 1, 1], [], []>, transpose_lhs_hint = false} : vector<2500x128xf32>, vector<128x128xf32>, vector<2500x128xf32> -> vector<2500x128xf32>
    %get3A_346 = arith.constant 0 : index
    %get3A_347 = arith.constant 0 : index
    %get3A_348 = vector.load %arg3[%get3A_346, %get3A_347] : memref<1x128xf32, #tpu.memory_space<vmem>>, vector<1x128xf32>
    %add3A_349 = vector.broadcast %get3A_348 : vector<1x128xf32> to vector<2500x128xf32>
    %add3A_350 = arith.addf %dot_general3A_345, %add3A_349 : vector<2500x128xf32>
    %get3A_351 = arith.constant 0 : index
    %get3A_352 = arith.constant 0 : index
    %get3A_353 = vector.load %arg4[%get3A_351, %get3A_352] : memref<1x128xf32, #tpu.memory_space<vmem>>, vector<1x128xf32>
    %get3A_354 = arith.constant 0 : index
    %get3A_355 = arith.constant 0 : index
    %get3A_356 = vector.load %arg6[%get3A_354, %get3A_355] : memref<1x128xf32, #tpu.memory_space<vmem>>, vector<1x128xf32>
    %sub3A_357 = vector.broadcast %get3A_356 : vector<1x128xf32> to vector<2500x128xf32>
    %sub3A_358 = arith.subf %add3A_350, %sub3A_357 : vector<2500x128xf32>
    %mul3A_359 = vector.broadcast %get3A_353 : vector<1x128xf32> to vector<2500x128xf32>
    %mul3A_360 = arith.mulf %mul3A_359, %sub3A_358 : vector<2500x128xf32>
    %div3A_361 = vector.broadcast %sqrt3A : vector<1x128xf32> to vector<2500x128xf32>
    %div3A_362 = arith.divf %mul3A_360, %div3A_361 : vector<2500x128xf32>
    %get3A_363 = arith.constant 0 : index
    %get3A_364 = arith.constant 0 : index
    %get3A_365 = vector.load %arg5[%get3A_363, %get3A_364] : memref<1x128xf32, #tpu.memory_space<vmem>>, vector<1x128xf32>
    %add3A_366 = vector.broadcast %get3A_365 : vector<1x128xf32> to vector<2500x128xf32>
    %add3A_367 = arith.addf %div3A_362, %add3A_366 : vector<2500x128xf32>
    %ge3A_368 = arith.constant 0.000000e+00 : f32
    %ge3A_369 = vector.broadcast %ge3A_368 : f32 to vector<2500x128xf32>
    %ge3A_370 = arith.cmpf oge, %add3A_367, %ge3A_369 : vector<2500x128xf32>
    %mul3A_371 = arith.constant 2.000000e-01 : f32
    %mul3A_372 = vector.broadcast %mul3A_371 : f32 to vector<2500x128xf32>
    %mul3A_373 = arith.mulf %mul3A_372, %add3A_367 : vector<2500x128xf32>
    %select_n3A_374 = arith.select %ge3A_370, %add3A_367, %mul3A_373 : vector<2500x128xi1>, vector<2500x128xf32>
    %reduce_max3A_375 = arith.constant dense<0xFF800000> : vector<128xf32>
    %reduce_max3A_376 = vector.multi_reduction <maximumf>, %select_n3A_374, %reduce_max3A_375 [0] : vector<2500x128xf32> to vector<128xf32>
    %broadcast_in_dim3A_377 = vector.shape_cast %reduce_max3A_376 : vector<128xf32> to vector<1x128xf32>
    %sub3A_378 = vector.broadcast %broadcast_in_dim3A_377 : vector<1x128xf32> to vector<2500x128xf32>
    %sub3A_379 = arith.subf %select_n3A_374, %sub3A_378 : vector<2500x128xf32>
    %exp3A_380 = math.exp %sub3A_379 : vector<2500x128xf32>
    %add3A_381 = arith.constant 1.000000e+00 : f32
    %add3A_382 = arith.addf %add3A_381, %get3A_2 : f32
    %slice3A_383 = vector.extract_strided_slice %get3A_30 {offsets = [3, 0, 0], sizes = [1, 2500, 128], strides = [1, 1, 1]} : vector<4x2500x128xf32> to vector<1x2500x128xf32>
    %squeeze3A_384 = vector.shape_cast %slice3A_383 : vector<1x2500x128xf32> to vector<2500x128xf32>
    %mul3A_385 = vector.broadcast %add3A_382 : f32 to vector<2500x128xf32>
    %mul3A_386 = arith.mulf %mul3A_385, %squeeze3A_384 : vector<2500x128xf32>
    %slice3A_387 = vector.extract_strided_slice %add3A {offsets = [3, 0, 0], sizes = [1, 2500, 128], strides = [1, 1, 1]} : vector<4x2500x128xf32> to vector<1x2500x128xf32>
    %squeeze3A_388 = vector.shape_cast %slice3A_387 : vector<1x2500x128xf32> to vector<2500x128xf32>
    %add3A_389 = arith.addf %mul3A_386, %squeeze3A_388 : vector<2500x128xf32>
    %convert_element_type3A_390 = arith.truncf %add3A_389 : vector<2500x128xf32> to vector<2500x128xbf16>
    %convert_element_type3A_391 = arith.extf %convert_element_type3A_390 : vector<2500x128xbf16> to vector<2500x128xf32>
    %mul3A_392 = vector.broadcast %convert_element_type3A_39 : vector<1x128xf32> to vector<2500x128xf32>
    %mul3A_393 = arith.mulf %convert_element_type3A_391, %mul3A_392 : vector<2500x128xf32>
    %reduce_sum3A_394 = arith.constant dense<0.000000e+00> : vector<2500xf32>
    %reduce_sum3A_395 = vector.multi_reduction <add>, %mul3A_393, %reduce_sum3A_394 [1] : vector<2500x128xf32> to vector<2500xf32>
    %broadcast_in_dim3A_396 = vector.shape_cast %reduce_sum3A_395 : vector<2500xf32> to vector<2500x1xf32>
    %add3A_397 = vector.broadcast %get3A_4 : f32 to vector<2500x1xf32>
    %add3A_398 = arith.addf %broadcast_in_dim3A_396, %add3A_397 : vector<2500x1xf32>
    %sub3A_399 = vector.broadcast %get3A_10 : f32 to vector<2500x1xf32>
    %sub3A_400 = arith.subf %add3A_398, %sub3A_399 : vector<2500x1xf32>
    %mul3A_401 = vector.broadcast %get3A_6 : f32 to vector<2500x1xf32>
    %mul3A_402 = arith.mulf %mul3A_401, %sub3A_400 : vector<2500x1xf32>
    %add3A_403 = arith.constant 1.000000e-03 : f32
    %add3A_404 = arith.addf %get3A_12, %add3A_403 : f32
    %sqrt3A_405 = math.sqrt %add3A_404 : f32
    %div3A_406 = vector.broadcast %sqrt3A_405 : f32 to vector<2500x1xf32>
    %div3A_407 = arith.divf %mul3A_402, %div3A_406 : vector<2500x1xf32>
    %add3A_408 = vector.broadcast %get3A_8 : f32 to vector<2500x1xf32>
    %add3A_409 = arith.addf %div3A_407, %add3A_408 : vector<2500x1xf32>
    %ge3A_410 = arith.constant 0.000000e+00 : f32
    %ge3A_411 = vector.broadcast %ge3A_410 : f32 to vector<2500x1xf32>
    %ge3A_412 = arith.cmpf oge, %add3A_409, %ge3A_411 : vector<2500x1xf32>
    %mul3A_413 = arith.constant 2.000000e-01 : f32
    %mul3A_414 = vector.broadcast %mul3A_413 : f32 to vector<2500x1xf32>
    %mul3A_415 = arith.mulf %mul3A_414, %add3A_409 : vector<2500x1xf32>
    %select_n3A_416 = arith.select %ge3A_412, %add3A_409, %mul3A_415 : vector<2500x1xi1>, vector<2500x1xf32>
    %add3A_417 = arith.addf %select_n3A_416, %add3A_53 : vector<2500x1xf32>
    %mul3A_418 = vector.broadcast %add3A_417 : vector<2500x1xf32> to vector<2500x128xf32>
    %mul3A_419 = arith.mulf %exp3A_380, %mul3A_418 : vector<2500x128xf32>
    %reduce_sum3A_420 = arith.constant dense<0.000000e+00> : vector<128xf32>
    %reduce_sum3A_421 = vector.multi_reduction <add>, %mul3A_419, %reduce_sum3A_420 [0] : vector<2500x128xf32> to vector<128xf32>
    %broadcast_in_dim3A_422 = vector.shape_cast %reduce_sum3A_421 : vector<128xf32> to vector<1x128xf32>
    %reduce_sum3A_423 = arith.constant dense<0.000000e+00> : vector<128xf32>
    %reduce_sum3A_424 = vector.multi_reduction <add>, %exp3A_380, %reduce_sum3A_423 [0] : vector<2500x128xf32> to vector<128xf32>
    %broadcast_in_dim3A_425 = vector.shape_cast %reduce_sum3A_424 : vector<128xf32> to vector<1x128xf32>
    %div3A_426 = arith.divf %broadcast_in_dim3A_422, %broadcast_in_dim3A_425 : vector<1x128xf32>
    %concatenate3A = tpu.concatenate %div3A_144, %div3A_238, %div3A_332, %div3A_426 in 0 : vector<1x128xf32>, vector<1x128xf32>, vector<1x128xf32>, vector<1x128xf32> -> vector<4x128xf32>
    %convert_element_type3A_427 = arith.truncf %concatenate3A : vector<4x128xf32> to vector<4x128xbf16>
    %convert_element_type3A_428 = arith.extf %convert_element_type3A_427 : vector<4x128xbf16> to vector<4x128xf32>
    %get3A_429 = arith.constant 0 : index
    %get3A_430 = arith.constant 0 : index
    %get3A_431 = vector.load %arg11[%get3A_429, %get3A_430] : memref<128x128xf32, #tpu.memory_space<vmem>>, vector<128x128xf32>
    %convert_element_type3A_432 = arith.truncf %get3A_431 : vector<128x128xf32> to vector<128x128xbf16>
    %convert_element_type3A_433 = arith.extf %convert_element_type3A_432 : vector<128x128xbf16> to vector<128x128xf32>
    %dot_general3A_434 = arith.constant dense<0.000000e+00> : vector<4x128xf32>
    %dot_general3A_435 = tpu.matmul %convert_element_type3A_428, %convert_element_type3A_433, %dot_general3A_434 {dimension_numbers = #tpu.dot_dimension_numbers<[1], [0], [0], [1], [0, 0, 1, 1], [], []>, transpose_lhs_hint = false} : vector<4x128xf32>, vector<128x128xf32>, vector<4x128xf32> -> vector<4x128xf32>
    %get3A_436 = arith.constant 0 : index
    %get3A_437 = arith.constant 0 : index
    %get3A_438 = vector.load %arg12[%get3A_436, %get3A_437] : memref<1x128xf32, #tpu.memory_space<vmem>>, vector<1x128xf32>
    %add3A_439 = vector.broadcast %get3A_438 : vector<1x128xf32> to vector<4x128xf32>
    %add3A_440 = arith.addf %dot_general3A_435, %add3A_439 : vector<4x128xf32>
    %swap3A = arith.constant 0 : index
    %swap3A_441 = arith.constant 0 : index
    %swap3A_442 = vector.load %arg14[%swap3A, %swap3A_441] : memref<4x128xf32, #tpu.memory_space<vmem>>, vector<4x128xf32>
    tpu.vector_store %arg14[%swap3A, %swap3A_441], %add3A_440 {strides = array<i32>} : memref<4x128xf32, #tpu.memory_space<vmem>>, vector<4x128xf32>,
    return
  }
}

</mosaic_0001>

<sc_bundles>
// kernel: kernel.6.cloned.1.call-start
scs
__scs_entry_jumppad:
0x0: {  	(pc) =	sbr.rel $0x88, $3  }
0x1: {  	(tag) =	ssettag $0x0;
	lr =	simm.s32 $0x1  }
0x2: {  	[smem:$0x3F82] =	sst lr;
	_ =	strace $0xD0000000  }
0x3: {  	_ = 	snop  }
0x4: {  	_ = 	snop  }
0x5: {  	_ = 	snop  }
0x6: {  	_ = 	snop  }
0x7: {  	_ = 	snop  }
__scs_overlays_trampoline_lowered:
0x8: {  	[smem:$0x3F91] =	sst s0  }
0x9: {  	[smem:$0x3F92] =	sst s1  }
0xa: {  	[smem:$0x3F93] =	sst s2  }
0xb: {  	[smem:$0x3F94] =	sst s3  }
0xc: {  	[smem:$0x3F95] =	sst s4  }
0xd: {  	[smem:$0x3F96] =	sst s5  }
0xe: {  	[smem:$0x3F97] =	sst s6  }
0xf: {  	[smem:$0x3F98] =	sst s7  }
0x10: {  	[smem:$0x3F99] =	sst s8  }
0x11: {  	[smem:$0x3F9A] =	sst s9;
	s0 =	simm.s32 @!p0 $0x0  }
0x12: {  	s1 =	sld [smem:$0x3F80];
	s0 =	simm.s32 @p0 $0x1  }
0x13: {  	[smem:$0x3F9B] =	sst s0;
	s0 =	simm.s32 @!p1 $0x0  }
0x14: {  	s2 =	sld [smem:$0x3F7F];
	s0 =	simm.s32 @p1 $0x1  }
0x15: {  	[smem:$0x3F9C] =	sst s0;
	s0 =	simm.s32 @!p2 $0x0  }
0x16: {  	s3 =	sld [smem:$0x3FDB];
	s0 =	simm.s32 @p2 $0x1  }
0x17: {  	s4 =	simm.s32 $0x1BF5;
	[smem:$0x3F9E] =	sst s0  }
0x18: {  	s0 =	sld [smem:$0x3F81];
	_ =	swait.ge [sflag:s4], $0x0  }
0x19: {  	s7 =	sld [smem:$0x3F82]  }
0x1a: {  	s8 =	sadd.s32 $0xFFFFE003, lr  }
0x1b: {  	s9 =	sadd.s32 $0xFFFFFEF7, lr;
	s5 =	simm.s32 $0xFFFFFFFF;
	p2 =	slt.u32 s8, $0xFFFFF086  }
0x1c: {  	p1 =	slt.u32 s9, $0xF7A;
	s5 =	simm.s32 @!p2 $0x0  }
0x1d: {  	s5 =	simm.s32 @p1 $0x1;
	p0 =	seq.s32 s7, s2  }
0x1e: {  	s7 =	smul.u32 @!p0 $0xF7A, s2;
	p2 =	seq.s32 @!p0 s5, $0x0  }
0x1f: {  	s9 =	smul.u32 $0xF7A, s1;
	s8 =	simm.s32 @!p0 $0x1BF5;
	p2 =	por !p2, p0  }
0x20: {  	[sflag:s8] =	ssyncset.s32 @!p0 $0xFFFFF086;
	s6 =	sadd.s32 @!p0 s3, s7;
	s7 =	simm.s32 @!p0 $0x108  }
0x21: {  	s3 =	sadd.s32 s3, s9;
	s6 =	sadd.s32 @!p0 $0x88, s6;
	s7 =	simm.s32 @p2 $0x1082  }
0x22: {  	[simem:s7], [sflag:s8] =	dma.local @!p0 [hbm:s6], $0xF7A  }
0x23: {  	s9 =	sor.u32 $0xD0000000, s2;
	s6 =	simm.s32 $0x108;
	_ =	swait.ge @!p0 [sflag:s8], $0x0  }
0x24: {  	s3 =	sadd.s32 $0x88, s3;
	s6 =	simm.s32 @!p1 $0x1082;
	[sflag:s4] =	ssyncset.s32 $0xFFFFF086  }
0x25: {  	[simem:s6], [sflag:s4] =	dma.local [hbm:s3], $0xF7A  }
0x26: {  	[smem:$0x3F82] =	sst s1;
	(tag) =	ssettag s2;
	_ =	strace s9  }
0x27: {  	s1 =	sld [smem:$0x3F92]  }
0x28: {  	s2 =	sld [smem:$0x3F93]  }
0x29: {  	s4 =	sld [smem:$0x3F95]  }
0x2a: {  	p0 =	seq.s32 s5, $0x0;
	s5 =	sld [smem:$0x3F96]  }
0x2b: {  	s6 =	sld [smem:$0x3F97]  }
0x2c: {  	s7 =	sld [smem:$0x3F98]  }
0x2d: {  	s3 =	simm.s32 $0x108;
	s8 =	sld [smem:$0x3F99]  }
0x2e: {  	s3 =	simm.s32 @!p0 $0x1082;
	s9 =	sld [smem:$0x3F9A]  }
0x2f: {  	lr =	sadd.s32 s0, s3;
	s0 =	sld [smem:$0x3F91]  }
0x30: {  	s3 =	sld [smem:$0x3F94]  }
0x31: {  	[smem:$0x3F9D] =	sst s10  }
0x32: {  	s10 =	sld [smem:$0x3F9B];
	_ =	sdelay $0x3  }
0x33: {  	p0 =	seq.s32 s10, $0x1;
	s10 =	sld [smem:$0x3F9D];
	_ =	sdelay $0x3  }
0x34: {  	[smem:$0x3F9D] =	sst s10  }
0x35: {  	s10 =	sld [smem:$0x3F9C];
	_ =	sdelay $0x3  }
0x36: {  	p1 =	seq.s32 s10, $0x1;
	s10 =	sld [smem:$0x3F9D];
	_ =	sdelay $0x3  }
0x37: {  	[smem:$0x3F9D] =	sst s10  }
0x38: {  	s10 =	sld [smem:$0x3F9E]  }
0x39: {  	_ = 	snop;
	(pc) =	sbr.ind lr, $3  }
0x3a: {  	_ = 	snop  }
0x3b: {  	_ = 	snop  }
0x3c: {  	p2 =	seq.s32 s10, $0x1;
	s10 =	sld [smem:$0x3F9D]  }
0x3d: {  	_ =	shalt  }
0x3e: {  	_ =	shalt  }
0x3f: {  	_ =	shalt  }
0x40: {  	_ =	shalt  }
0x41: {  	_ =	shalt  }
0x42: {  	_ =	shalt  }
0x43: {  	_ =	shalt  }
0x44: {  	_ =	shalt  }
0x45: {  	_ =	shalt  }
0x46: {  	_ =	shalt  }
0x47: {  	_ =	shalt  }
0x48: {  	_ =	shalt  }
0x49: {  	_ =	shalt  }
0x4a: {  	_ =	shalt  }
0x4b: {  	_ =	shalt  }
0x4c: {  	_ =	shalt  }
0x4d: {  	_ =	shalt  }
0x4e: {  	_ =	shalt  }
0x4f: {  	_ =	shalt  }
0x50: {  	_ =	shalt  }
0x51: {  	_ =	shalt  }
0x52: {  	_ =	shalt  }
0x53: {  	_ =	shalt  }
0x54: {  	_ =	shalt  }
0x55: {  	_ =	shalt  }
0x56: {  	_ =	shalt  }
0x57: {  	_ =	shalt  }
0x58: {  	_ =	shalt  }
0x59: {  	_ =	shalt  }
0x5a: {  	_ =	shalt  }
0x5b: {  	_ =	shalt  }
0x5c: {  	_ =	shalt  }
0x5d: {  	_ =	shalt  }
0x5e: {  	_ =	shalt  }
0x5f: {  	_ =	shalt  }
0x60: {  	_ =	shalt  }
0x61: {  	_ =	shalt  }
0x62: {  	_ =	shalt  }
0x63: {  	_ =	shalt  }
0x64: {  	_ =	shalt  }
0x65: {  	_ =	shalt  }
0x66: {  	_ =	shalt  }
0x67: {  	_ =	shalt  }
0x68: {  	_ =	shalt  }
0x69: {  	_ =	shalt  }
0x6a: {  	_ =	shalt  }
0x6b: {  	_ =	shalt  }
0x6c: {  	_ =	shalt  }
0x6d: {  	_ =	shalt  }
0x6e: {  	_ =	shalt  }
0x6f: {  	_ =	shalt  }
0x70: {  	_ =	shalt  }
0x71: {  	_ =	shalt  }
0x72: {  	_ =	shalt  }
0x73: {  	_ =	shalt  }
0x74: {  	_ =	shalt  }
0x75: {  	_ =	shalt  }
0x76: {  	_ =	shalt  }
0x77: {  	_ =	shalt  }
0x78: {  	_ =	shalt  }
0x79: {  	_ =	shalt  }
0x7a: {  	_ =	shalt  }
0x7b: {  	_ =	shalt  }
0x7c: {  	_ =	shalt  }
0x7d: {  	_ =	shalt  }
0x7e: {  	_ =	shalt  }
0x7f: {  	_ =	shalt  }
0x80: {  	_ =	shalt  }
0x81: {  	_ =	shalt  }
0x82: {  	_ =	shalt  }
0x83: {  	_ =	shalt  }
0x84: {  	_ =	shalt  }
0x85: {  	_ =	shalt  }
0x86: {  	_ =	shalt  }
0x87: {  	_ =	shalt  }
.Lfunc_end0:
.L_simem_size_0:
called_computation_lowered:
.L_overlay_start_0:
0x88: {  	s2 =	sld [smem:$0x3FD9]  }
0x89: {  	s3 =	sld [smem:$0x3FFE];
	_ =	sdelay $0x1  }
0x8a: {  	s1 =	srdreg.scid  }
0x8b: {  	s0 =	sand.u32 $0x1, s1  }
0x8c: {  	s16 =	sshll.u32 s0, $0xA;
	s2 =	sadd.s32 s3, s2  }
0x8d: {  	s2 =	sadd.s32 s2, s16  }
0x8e: {  	[smem:$0x3FA9] =	sst s2  }
0x8f: {  	_ = 	snop  }
0x90: {  	(tm) =	ssettm $0x1  }
0x91: {  	s17 =	sld [smem:$0x3FFB];
	_ =	sdelay $0x3  }
0x92: {  	_ =	strace s17  }
0x93: {  	s2 =	sld [smem:$0x3FFC];
	_ =	sdelay $0x3  }
0x94: {  	_ =	strace s2  }
0x95: {  	s2 =	sld [smem:$0x3FFD];
	_ =	sdelay $0x3  }
0x96: {  	_ =	strace s2  }
0x97: {  	_ =	strace $0x8FFFFFFF  }
0x98: {  	s18 =	sld [smem:$0x3FDB];
	_ =	sdelay $0x1  }
0x99: {  	s19 =	simm.s32 $_scs_section_size  }
0x9a: {  	s4 =	simm.s32 $_size__tile_overlayer_lowered;
	s5 =	simm.s32 $_tile_overlayer_lowered  }
0x9b: {  	s22 =	simm.s32 $0x1BFF;
	s21 =	sshll.u32 s5, $0x1;
	s2 =	sadd.s32 s19, s18  }
0x9c: {  	s6 =	simm.s32 $0x0;
	s20 =	sshll.u32 s4, $0x1;
	s4 =	sadd.s32 s21, s2  }
0x9d: {  	[timem:s6], [sflag:s22] =	dma.local [hbm:s4], s20  }
0x9e: {  	_ =	swait.ge [sflag:s22], s20  }
0x9f: {  	s3 =	ssub.s32 $0x0, s20;
	[sflag:s22] =	ssyncset.done $0x0  }
0xa0: {  	[sflag:s22] =	ssyncadd.s32 s3;
	_ =	sdelay $0x1  }
0xa1: {  	s23 =	simm.s32 $0x1B8B  }
0xa2: {  	_ =	swait.ge [sflag:s23], $0x1  }
0xa3: {  	[sflag:s23] =	ssyncset.done $0x0  }
0xa4: {  	s25 =	simm.s32 $0x1B8E;
	s24 =	sld [smem:$0x3FFE];
	[sflag:s23] =	ssyncadd.s32 $0xFFFFFFFF  }
0xa5: {  	s26 =	simm.s32 $execute0_lowered;
	[smem:$0x3FD2] =	sst s25  }
0xa6: {  	s4 =	sshll.u32 s26, $0x1;
	_ =	strace $0x80000046;
	[dreg:$0x1] =	wrdreg $0xFFFFFFFF  }
0xa7: {  	s28 =	simm.s32 $_size_execute0_lowered;
	s2 =	sadd.s32 s2, s4;
	[dreg:$0x0] =	wrdreg $0x0  }
0xa8: {  	s4 =	sshll.u32 s28, $0x1;
	[dreg:$0x2] =	wrdreg s2  }
0xa9: {  	[dreg:$0x3] =	wrdreg s4  }
0xaa: {  	[dreg:$0x4] =	wrdreg $0xC0  }
0xab: {  	_ =	task [dreg:s6], $0x5FFFF  }
0xac: {  	[dreg:$0x1] =	wrdreg $0xFFFFFFFF  }
0xad: {  	[dreg:$0x0] =	wrdreg $0x60  }
0xae: {  	[dreg:$0x2] =	wrdreg s24  }
0xaf: {  	[dreg:$0x3] =	wrdreg $0xC4000  }
0xb0: {  	[dreg:$0x4] =	wrdreg $0x9  }
0xb1: {  	_ =	task.clear_ibuf [dreg:s6], $0x5FFFF;
	_ =	strace $0x90000046  }
0xb2: {  	s29 =	simm.s32 $0x9;
	_ =	strace $0x80000048  }
0xb3: {  	_ =	swait.ge [sflag:s29], $0x1  }
0xb4: {  	[sflag:s29] =	ssyncadd.s32 $0xFFFFFFFF  }
0xb5: {  	_ =	strace $0x90000048  }
0xb6: {  	_ =	sfence  }
0xb7: {  	s30 =	sld [smem:$0x0];
	_ =	sdelay $0x2  }
0xb8: {  	s31 =	sshll.u32 s1, $0xD;
	s1 =	sshrl.u32 s1, $0x2  }
0xb9: {  	s3 =	sand.u32 $0x4000, s31;
	s1 =	sadd.s32 s1, s30  }
0xba: {  	s0 =	sor.u32 s3, s0;
	s1 =	sshll.u32 s1, $0x11  }
0xbb: {  	s0 =	sor.u32 s1, s0  }
0xbc: {  	s0 =	sadd.s32 $0x8F2B, s0  }
0xbd: {  	[sflag:s0] =	ssyncadd.remote.s32 $0x1  }
0xbe: {  	_ =	sfence.sel $0xFFFF  }
0xbf: {  	[dreg:$0x0] =	wrdreg $0xFFFFFFFF;
	(pc) =	sbr.abs _section_cstart, $3  }
0xc0: {  	[dreg:$0x1] =	wrdreg $0xFFFFFFFF  }
0xc1: {  	_ =	task.clear_ibuf [dreg:s6], $0x2FFFF;
	_ =	strace $0x9FFFFFFF  }
0xc2: {  	(tm) =	ssettm $0x7FFFFFFF  }
0xc3: {  	_ =	shalt  }
tec
execute0_lowered:
.L_overlay_start_1:
0x0: {  	(tag) =	ssettag $0x1  }
0x1: {  	s0 =	rddreg [dreg:$0x0]  }
0x2: {  	s2 =	rddreg [dreg:$0x1]  }
0x3: {  	s1 =	srdreg.scid;
	s18 =	stileid.u32  }
0x4: {  	s3 =	simm.s32 $0x0;
	s16 =	simm.s32 $0x4;
	s17 =	simm.s32 $0x2780  }
0x5: {  	s28 =	simm.s32 $0x8C00;
	s30 =	simm.s32 $0x2;
	s1 =	sand.u32 $0x1, s1  }
0x6: {  	s4 =	sshll.u32 s18, $0x1;
	s6 =	sshrl.u32 s18, $0x2;
	s10 =	smul.u32 $0x13800, s18  }
0x7: {  	[smem:$0x7FF] =	sst s3;
	s12 =	smul.u32 $0x4E000, s18;
	s13 =	sadd.s32 $0x67400, s0  }
0x8: {  	p0 =	sne.s32 s18, $0xF;
	s31 =	sshll.u32 s18, $0x6;
	s18 =	simm.s32 $0x5B80  }
0x9: {  	s5 =	sor.u32 s1, s4;
	s8 =	smul.u32 $0x13C00, s6;
	_ =	strace $0x80000047  }
0xa: {  	s4 =	sadd.s32 $0xF200, s0;
	s23 =	ssub.s32 $0x2, s1;
	s1 =	smul.u32 $0x138800, s1  }
0xb: {  	s6 =	sshll.u32 s6, $0xA;
	s7 =	sshll.u32 s5, $0x7;
	s5 =	smul.u32 $0x680, s5  }
0xc: {  	s22 =	sshrl.u32 s10, $0x3;
	s24 =	sshrl.u32 s23, $0x1;
	s25 =	sshrl.u32 s12, $0x2  }
0xd: {  	s7 =	sand.u32 $0x380, s7;
	s11 =	sadd.s32 s22, s0;
	s14 =	ssub.s32 s23, s24  }
0xe: {  	s15 =	sadd.s32 s25, s2;
	s26 =	sadd.s32 s10, s1;
	s1 =	sshrl.u32 s1, $0x3  }
0xf: {  	s10 =	sadd.s32 $0x67200, s0;
	s23 =	simm.s32 $0xBC00;
	s24 =	simm.s32 $0x1  }
0x10: {  	s25 =	simm.s32 $0x60;
	s22 =	simm.s32 $0x0;
	s8 =	sor.u32 s8, s7  }
0x11: {  	s6 =	sor.u32 s6, s7;
	s20 =	sadd.s32 s5, s0;
	s29 =	sshrl.u32 s26, $0x3  }
0x12: {  	s1 =	sadd.s32 s13, s1;
	s26 =	simm.s32 $0x5C00;
	s8 =	sshrl.u32 s8, $0x3  }
0x13: {  	s21 =	sshrl.u32 s6, $0x3;
	s6 =	sadd.s32 $0x2200, s20;
	s12 =	sadd.s32 $0x27000, s1  }
0x14: {  	s20 =	sshrl.u32 s15, $0x3;
	s19 =	sadd.s32 s8, s0;
	s9 =	sadd.s32 s21, s0  }
0x15: {  	s8 =	sadd.s32 $0x40200, s11;
	s11 =	sadd.s32 s13, s29;
	s13 =	smax.u32 s14, $0x1  }
0x16: {  	s21 =	simm.s32 $0x10;
	s0 =	simm.s32 $0x3;
	s5 =	sadd.s32 $0x36400, s19  }
0x17: {  	s7 =	sadd.s32 $0x2000, s9;
	s9 =	sadd.s32 $0x138000, s2;
	s19 =	sor.u32 $0x1C04, s31  }
.LBB2_1:
0x18: {  	s1 =	simm.s32 $0x80;
	s14 =	simm.s32 $0x400  }
0x19: {  	[tilespmem:s3], [sflag:$0x4] =	stream.strided.gather [hbm4b:s5+s1], $0x2780, s14, s1, $0x38;
	[tilespmem:$0x1FC80] =	vst v63  }
0x1a: {  	_ =	swait.ge [sflag:s16], $0x2780  }
0x1b: {  	[sflag:s16] =	ssyncset.done $0x0  }
0x1c: {  	[sflag:s16] =	ssyncadd.s32 $0xFFFFD880  }
0x1d: {  	[tilespmem:s17], [sflag:$0x4] =	stream.linear.gather [hbm4b:s6+s3], $0x3400, $0x38;
	[tilespmem:$0x1FC80] =	vst v63  }
0x1e: {  	_ =	swait.ge [sflag:s16], $0x3400  }
0x1f: {  	[sflag:s16] =	ssyncset.done $0x0  }
0x20: {  	[sflag:s16] =	ssyncadd.s32 $0xFFFFCC00  }
0x21: {  	[tilespmem:s18], [sflag:$0x4] =	stream.linear.gather [hbm4b:s7+s3], $0x80, $0x38;
	[tilespmem:$0x1FC80] =	vst v63  }
0x22: {  	_ =	swait.ge [sflag:s16], $0x80  }
0x23: {  	[sflag:s16] =	ssyncset.done $0x0  }
0x24: {  	[sflag:s16] =	ssyncadd.s32 $0xFFFFFF80  }
0x25: {  	[spmem:s20], [sflag:s19] =	dma.local [hbm:s8], $0x2700  }
0x26: {  	_ =	swait.ge [sflag:s16], $0x2700  }
0x27: {  	[sflag:s16] =	ssyncset.done $0x0  }
0x28: {  	s29 =	sshrl.u32 @!p0 s9, $0x3;
	s1 =	simm.s32 @!p0 $0x4;
	[sflag:s16] =	ssyncadd.s32 $0xFFFFD900  }
0x29: {  	[spmem:s29], [sflag:s19] =	dma.local @!p0 [hbm:s10], $0x100  }
0x2a: {  	_ =	swait.ge @!p0 [sflag:s1], $0x100  }
0x2b: {  	[sflag:s1] =	ssyncset.done @!p0 $0x0  }
0x2c: {  	[sflag:s1] =	ssyncadd.s32 @!p0 $0xFFFFFF00  }
0x2d: {  	s14 =	simm.s32 $0x2700;
	[bflag:$0x0] =	sbarrier.arrive $0xFFFF  }
0x2e: {  	[tilespmem:s23], [sflag:$0x1] =	stream.indirect.gather [hbm4b:s4+s21], $0x80, s14, s21, $0xb8;
	[tilespmem:$0x1FC80] =	vst v63  }
0x2f: {  	_ =	swait.ge [sflag:s24], $0x800  }
0x30: {  	[sflag:s24] =	ssyncset.done $0x0  }
0x31: {  	[sflag:s24] =	ssyncadd.s32 $0xFFFFF800  }
0x32: {  	[spmem:s2] =	stream.indirect.scatter.add.f32 [tilespmem:s23], [sflag:$0x4], $0x80, s18, s21, $0xb8;
	[tilespmem:$0x1FC80] =	vst v63  }
0x33: {  	_ =	swait.ge [sflag:s16], $0x800  }
0x34: {  	[sflag:s16] =	ssyncset.done $0x0  }
0x35: {  	[sflag:s16] =	ssyncadd.s32 $0xFFFFF800  }
0x36: {  	[tilespmem:s26], [sflag:$0x1] =	stream.indirect.gather [hbm4b:s4+s25], $0x80, s3, s25, $0xb8;
	[tilespmem:$0x1FC80] =	vst v63  }
0x37: {  	_ =	swait.ge [sflag:s24], $0x3000  }
0x38: {  	[sflag:s24] =	ssyncset.done $0x0  }
0x39: {  	[sflag:s24] =	ssyncadd.s32 $0xFFFFD000  }
0x3a: {  	[spmem:s2] =	stream.indirect.scatter.add.f32 [tilespmem:s26], [sflag:$0x2], $0x80, s17, s25, $0xb8;
	[tilespmem:$0x1FC80] =	vst v63  }
0x3b: {  	_ = 	snop  }
0x3c: {  	[tilespmem:s28], [sflag:$0x1] =	stream.indirect.gather [hbm4b:s4+s25], $0x80, s25, s25, $0xb8;
	[tilespmem:$0x1FC80] =	vst v63  }
0x3d: {  	_ =	swait.ge [sflag:s24], $0x3000  }
0x3e: {  	[sflag:s24] =	ssyncset.done $0x0  }
0x3f: {  	s15 =	simm.s32 $0x2800;
	[sflag:s24] =	ssyncadd.s32 $0xFFFFD000  }
0x40: {  	[spmem:s2] =	stream.indirect.scatter.add.f32 [tilespmem:s28], [sflag:$0x3], $0x80, s15, s25, $0xb8;
	[tilespmem:$0x1FC80] =	vst v63  }
0x41: {  	_ =	swait.ge [sflag:s30], $0x3000  }
0x42: {  	[sflag:s30] =	ssyncset.done $0x0  }
0x43: {  	s14 =	simm.s32 $0xC0;
	[sflag:s30] =	ssyncadd.s32 $0xFFFFD000  }
0x44: {  	[tilespmem:s26], [sflag:$0x1] =	stream.indirect.gather [hbm4b:s4+s25], $0x80, s14, s25, $0xb8;
	[tilespmem:$0x1FC80] =	vst v63  }
0x45: {  	_ =	swait.ge [sflag:s24], $0x3000  }
0x46: {  	[sflag:s24] =	ssyncset.done $0x0  }
0x47: {  	s15 =	simm.s32 $0x2880;
	[sflag:s24] =	ssyncadd.s32 $0xFFFFD000  }
0x48: {  	[spmem:s2] =	stream.indirect.scatter.add.f32 [tilespmem:s26], [sflag:$0x2], $0x80, s15, s25, $0xb8;
	[tilespmem:$0x1FC80] =	vst v63  }
0x49: {  	_ =	swait.ge [sflag:s0], $0x3000  }
0x4a: {  	[sflag:s0] =	ssyncset.done $0x0  }
0x4b: {  	s14 =	simm.s32 $0x120;
	[sflag:s0] =	ssyncadd.s32 $0xFFFFD000  }
0x4c: {  	[tilespmem:s28], [sflag:$0x1] =	stream.indirect.gather [hbm4b:s4+s25], $0x80, s14, s25, $0xb8;
	[tilespmem:$0x1FC80] =	vst v63  }
0x4d: {  	_ =	swait.ge [sflag:s24], $0x3000  }
0x4e: {  	[sflag:s24] =	ssyncset.done $0x0  }
0x4f: {  	s15 =	simm.s32 $0x2900;
	[sflag:s24] =	ssyncadd.s32 $0xFFFFD000  }
0x50: {  	[spmem:s2] =	stream.indirect.scatter.add.f32 [tilespmem:s28], [sflag:$0x3], $0x80, s15, s25, $0xb8;
	[tilespmem:$0x1FC80] =	vst v63  }
0x51: {  	_ =	swait.ge [sflag:s30], $0x3000  }
0x52: {  	s31 =	simm.s32 $0xFFFF6D00;
	[sflag:s30] =	ssyncset.done $0x0  }
0x53: {  	s1 =	simm.s32 $0x2980;
	s14 =	simm.s32 $0x180;
	[sflag:s30] =	ssyncadd.s32 $0xFFFFD000  }
.LBB2_2:
0x54: {  	[tilespmem:s26], [sflag:$0x1] =	stream.indirect.gather [hbm4b:s4+s25], $0x80, s14, s25, $0xb8;
	[tilespmem:$0x1FC80] =	vst v63  }
0x55: {  	s14 =	smov.u32 s31  }
0x56: {  	p1 =	sne.s32 s31, $0xFFFFFD00;
	s31 =	sadd.s32 $0x300, s31;
	_ =	swait.ge [sflag:s24], $0x3000  }
0x57: {  	[sflag:s24] =	ssyncset.done $0x0  }
0x58: {  	[sflag:s24] =	ssyncadd.s32 $0xFFFFD000  }
0x59: {  	[spmem:s2] =	stream.indirect.scatter.add.f32 [tilespmem:s26], [sflag:$0x2], $0x80, s1, s25, $0xb8;
	[tilespmem:$0x1FC80] =	vst v63  }
0x5a: {  	_ =	swait.ge [sflag:s0], $0x3000  }
0x5b: {  	s14 =	sshra.s32 s14, $0x2;
	[sflag:s0] =	ssyncset.done $0x0  }
0x5c: {  	s15 =	sadd.s32 $0x26A0, s14;
	[sflag:s0] =	ssyncadd.s32 $0xFFFFD000  }
0x5d: {  	[tilespmem:s28], [sflag:$0x1] =	stream.indirect.gather [hbm4b:s4+s25], $0x80, s15, s25, $0xb8;
	[tilespmem:$0x1FC80] =	vst v63  }
0x5e: {  	_ =	swait.ge [sflag:s24], $0x3000  }
0x5f: {  	[sflag:s24] =	ssyncset.done $0x0  }
.Ltmp0:
0x60: {  	s15 =	sadd.s32 $0x80, s1;
	[sflag:s24] =	ssyncadd.s32 $0xFFFFD000;
	(pc) =	sbr.rel @p1 .LBB2_2-.Ltmp0, $4  }
0x61: {  	[spmem:s2] =	stream.indirect.scatter.add.f32 [tilespmem:s28], [sflag:$0x3], $0x80, s15, s25, $0xb8;
	[tilespmem:$0x1FC80] =	vst v63  }
0x62: {  	_ =	swait.ge [sflag:s30], $0x3000  }
0x63: {  	[sflag:s30] =	ssyncset.done $0x0  }
0x64: {  	s14 =	sadd.s32 $0x2700, s14;
	s1 =	sadd.s32 $0x100, s1;
	[sflag:s30] =	ssyncadd.s32 $0xFFFFD000  }
0x65: {  	[tilespmem:s26], [sflag:$0x1] =	stream.indirect.gather [hbm4b:s4+s25], $0x80, s14, s25, $0xb8;
	[tilespmem:$0x1FC80] =	vst v63  }
0x66: {  	_ =	swait.ge [sflag:s24], $0x3000  }
0x67: {  	[sflag:s24] =	ssyncset.done $0x0  }
0x68: {  	s1 =	simm.s32 $0x5A80;
	[sflag:s24] =	ssyncadd.s32 $0xFFFFD000  }
0x69: {  	[spmem:s2] =	stream.indirect.scatter.add.f32 [tilespmem:s26], [sflag:$0x2], $0x80, s1, s25, $0xb8;
	[tilespmem:$0x1FC80] =	vst v63  }
0x6a: {  	_ =	swait.ge [sflag:s0], $0x3000  }
0x6b: {  	[sflag:s0] =	ssyncset.done $0x0  }
0x6c: {  	s15 =	simm.s32 $0x26A0;
	[sflag:s0] =	ssyncadd.s32 $0xFFFFD000  }
0x6d: {  	[tilespmem:s28], [sflag:$0x1] =	stream.indirect.gather [hbm4b:s4+s25], $0x80, s15, s25, $0xb8;
	[tilespmem:$0x1FC80] =	vst v63  }
0x6e: {  	_ =	swait.ge [sflag:s24], $0x3000  }
0x6f: {  	[sflag:s24] =	ssyncset.done $0x0  }
0x70: {  	s31 =	simm.s32 $0x5B00;
	[sflag:s24] =	ssyncadd.s32 $0xFFFFD000  }
0x71: {  	[spmem:s2] =	stream.indirect.scatter.add.f32 [tilespmem:s28], [sflag:$0x3], $0x80, s31, s25, $0xb8;
	[tilespmem:$0x1FC80] =	vst v63  }
0x72: {  	_ =	swait.ge [sflag:s30], $0x3000  }
0x73: {  	[sflag:s30] =	ssyncset.done $0x0  }
0x74: {  	[sflag:s30] =	ssyncadd.s32 $0xFFFFD000  }
0x75: {  	_ =	swait.ge [sflag:s0], $0x3000  }
0x76: {  	[sflag:s0] =	ssyncset.done $0x0  }
0x77: {  	[sflag:s0] =	ssyncadd.s32 $0xFFFFD000  }
0x78: {  	[bflag:$0x0] =	sbarrier.arrive $0xFFFF  }
0x79: {  	[hbm:s11], [sflag:s19] =	dma.local [spmem:s20], $0x2700  }
0x7a: {  	s22 =	sadd.s32 $0x1, s22;
	_ =	swait.ge [sflag:s16], $0x2700  }
0x7b: {  	p1 =	sne.s32 s22, s13;
	[sflag:s16] =	ssyncset.done $0x0  }
.Ltmp1:
0x7c: {  	s1 =	simm.s32 @!p0 $0x4;
	[sflag:s16] =	ssyncadd.s32 $0xFFFFD900;
	(pc) =	sbr.rel @p1 .LBB2_1-.Ltmp1, $4  }
0x7d: {  	[hbm:s12], [sflag:s19] =	dma.local @!p0 [spmem:s29], $0x100  }
0x7e: {  	_ =	swait.ge @!p0 [sflag:s1], $0x100  }
0x7f: {  	[sflag:s1] =	ssyncset.done @!p0 $0x0  }
0x80: {  	[sflag:s1] =	ssyncadd.s32 @!p0 $0xFFFFFF00  }
0x81: {  	_ =	sfence.sel $0x180000  }
0x82: {  	[bflag:$0x0] =	sbarrier.arrive $0xFFFF  }
0x83: {  	_ =	strace $0x90000047  }
0x84: {  	s0 =	stileid.u32;
	[bflag:$0x2] =	sbarrier.arrive $0xFFFF  }
0x85: {  	p0 =	sne.s32 s0, $0x0;
	s0 =	rddreg [dreg:$0x2]  }
0x86: {  	s0 =	sadd.s32 @!p0 $0x100000, s0  }
0x87: {  	[sflag:s0] =	ssyncadd.tile.s32 @!p0 $0x1;
	_ =	shalt  }
.Lfunc_end2:
_tile_overlayer_lowered:
.L_overlay_start_2:
0x88: {  	(tag) =	ssettag $0x2  }
0x89: {  	s0 =	rddreg [dreg:$0x0];
	s2 =	stileid.u32  }
0x8a: {  	s1 =	rddreg [dreg:$0x1];
	p0 =	sne.s32 s2, $0x0  }
0x8b: {  	s3 =	rddreg [dreg:$0x2];
	[bflag:$0x3] =	sbarrier.arrive $0xFFFF;
	s2 =	simm.s32 @!p0 $0x1C04  }
0x8c: {  	[timem:s3], [sflag:s2] =	dma.local @!p0 [hbm:s0], s1  }
0x8d: {  	s0 =	simm.s32 @!p0 $0x4  }
0x8e: {  	_ =	swait.ge @!p0 [sflag:s0], s1  }
0x8f: {  	s1 =	ssub.s32 @!p0 $0x0, s1;
	[sflag:s0] =	ssyncset.done @!p0 $0x0  }
0x90: {  	[sflag:s0] =	ssyncadd.s32 @!p0 s1  }
0x91: {  	[bflag:$0x3] =	sbarrier.arrive $0xFFFF  }
0x92: {  	_ =	shalt  }

</sc_bundles>
